<compile_context>
chip_gen: v7x
topology: tpu7x:2x2x1
jax: 0.10.2.dev20260603
libtpu: 0.0.44.dev20260713+nightly
codegen_flags: <defaults>
</compile_context>

<pallas_src>
import functools

import jax
import jax.numpy as jnp
from jax import lax
from jax.experimental import pallas as pl
from jax.experimental.pallas import tpu as pltpu
from jax.experimental.pallas import tpu_sc as plsc

NC = 2
NS = 16
NW = NC * NS
L = 16
N = 8192
NSC_SWEEPS = 2
WPS = NW // NSC_SWEEPS
QSC = 8192
QPW = QSC // WPS
TTAIL = N - QSC
QG = 8
NVEC = N // L

_mesh = plsc.VectorSubcoreMesh(
    core_axis_name="c", subcore_axis_name="s", num_cores=NC, num_subcores=NS
)


def _bf16_round(v):
    u = plsc.bitcast(v, jnp.uint32)
    lsb = (u >> jnp.uint32(16)) & jnp.uint32(1)
    r = (u + jnp.uint32(32767) + lsb) & jnp.uint32(0xFFFF0000)
    return plsc.bitcast(r, jnp.float32)


@functools.partial(
    pl.kernel,
    out_type=jax.ShapeDtypeStruct((NW, L), jnp.float32),
    mesh=_mesh,
    compiler_params=pltpu.CompilerParams(needs_layout_passes=False),
    scratch_types=[
        pltpu.VMEM((N,), jnp.float32),
        pltpu.VMEM((N,), jnp.float32),
        pltpu.VMEM((N,), jnp.float32),
        pltpu.VMEM((N,), jnp.float32),
        pltpu.VMEM((N,), jnp.float32),
        pltpu.VMEM((N,), jnp.float32),
        pltpu.VMEM((N,), jnp.float32),
        pltpu.VMEM((QPW,), jnp.float32),
        pltpu.VMEM((QPW,), jnp.float32),
        pltpu.VMEM((QPW,), jnp.float32),
        pltpu.VMEM((L,), jnp.float32),
    ],
)
def _chamfer_sc(xs, ys, zs, out, cx, cy, cz, rx, ry, rz, cc, qx, qy, qz, res):
    cid = lax.axis_index("c")
    sid = lax.axis_index("s")
    wid = sid * NC + cid
    batch = wid // WPS
    chunk = wid % WPS
    qrow = batch
    crow = 2 + batch
    qbase = chunk * QPW

    pltpu.sync_copy(xs.at[crow], cx)
    pltpu.sync_copy(ys.at[crow], cy)
    pltpu.sync_copy(zs.at[crow], cz)
    pltpu.sync_copy(xs.at[qrow, pl.ds(qbase, QPW)], qx)
    pltpu.sync_copy(ys.at[qrow, pl.ds(qbase, QPW)], qy)
    pltpu.sync_copy(zs.at[qrow, pl.ds(qbase, QPW)], qz)

    def pre_body(j, carry):
        sl = pl.ds(j * L, L)
        x = cx[sl]
        y = cy[sl]
        z = cz[sl]
        cc[sl] = x * x + y * y + z * z
        rx[sl] = _bf16_round(x)
        ry[sl] = _bf16_round(y)
        rz[sl] = _bf16_round(z)
        return carry

    lax.fori_loop(0, NVEC, pre_body, 0)

    big = jnp.full((L,), 3.0e38, jnp.float32)
    izero = jnp.zeros((L,), jnp.int32)
    lane = lax.iota(jnp.int32, L)
    imax = jnp.int32(2147483647)

    def group_body(g, accd):
        qb = g * L
        vx = qx[pl.ds(qb, L)]
        vy = qy[pl.ds(qb, L)]
        vz = qz[pl.ds(qb, L)]
        mwx = -2.0 * _bf16_round(vx)
        mwy = -2.0 * _bf16_round(vy)
        mwz = -2.0 * _bf16_round(vz)

        idxvec = izero
        for half in range(L // QG):
            lo = half * QG
            m2x = [mwx[lo + i] for i in range(QG)]
            m2y = [mwy[lo + i] for i in range(QG)]
            m2z = [mwz[lo + i] for i in range(QG)]

            def inner(j, carry):
                mins, idxs, jv = carry
                sl = pl.ds(j * L, L)
                x = rx[sl]
                y = ry[sl]
                z = rz[sl]
                base = cc[sl]
                nmins = []
                nidxs = []
                for i in range(QG):
                    t = base + x * m2x[i] + y * m2y[i] + z * m2z[i]
                    better = t < mins[i]
                    nmins.append(jnp.where(better, t, mins[i]))
                    nidxs.append(jnp.where(better, jv, idxs[i]))
                return tuple(nmins), tuple(nidxs), jv + L

            mins, idxs, _ = lax.fori_loop(
                0, NVEC, inner, ((big,) * QG, (izero,) * QG, lane), unroll=2
            )
            for i in range(QG):
                hv = -plsc.cummax(-mins[i])
                masked = jnp.where(mins[i] == hv[L - 1], idxs[i], imax)
                win = -plsc.cummax(-masked)
                idxvec = jnp.where(lane == lo + i, win[L - 1], idxvec)
        gx = plsc.load_gather(cx, [idxvec])
        gy = plsc.load_gather(cy, [idxvec])
        gz = plsc.load_gather(cz, [idxvec])
        dx = vx - gx
        dy = vy - gy
        dz = vz - gz
        return accd + (dx * dx + dy * dy + dz * dz)

    accd = lax.fori_loop(0, QPW // L, group_body, jnp.zeros((L,), jnp.float32))
    res[...] = accd
    pltpu.sync_copy(res, out.at[wid])



RT = 256
TS = TTAIL // RT
TSTEPS = 2 * N // RT + 2 * TS


def _cseg(i):
    d1 = 2 * N // RT
    if TS == 0:
        return (i * RT // N, 0, 0)
    return (jnp.where(i < d1, i * RT // N, 2 + (i - d1) // TS), 0, 0)


def _tc_body(q8_ref, qb_ref, c8_ref, cb_ref, out_ref):
    step = pl.program_id(0)
    q8 = q8_ref[...]
    qb = qb_ref[...]
    c8 = c8_ref[0]
    cb = cb_ref[0]
    aa = jnp.sum(q8 * q8, axis=0)
    bb = jnp.sum(c8 * c8, axis=0)
    ab = lax.dot_general(
        qb, cb, (((0,), (0,)), ((), ())),
        preferred_element_type=jnp.float32,
    )
    score = bb[None, :] - 2.0 * ab
    abf = lax.dot_general(
        q8, c8, (((0,), (0,)), ((), ())),
        precision=lax.Precision.HIGHEST,
        preferred_element_type=jnp.float32,
    )
    exact = (aa[:, None] + bb[None, :]) - 2.0 * abf
    rowmin = jnp.min(score, axis=1)
    bigf = jnp.float32(3.0e38)
    dwin = jnp.min(jnp.where(score == rowmin[:, None], exact, bigf), axis=1)
    part = jnp.reshape(dwin, (RT // 128, 128))

    @pl.when(step == 0)
    def _init():
        out_ref[...] = jnp.zeros_like(out_ref)

    out_ref[...] += jnp.sum(part, axis=0, keepdims=True)


_tc_call = pl.pallas_call(
    _tc_body,
    grid=(TSTEPS,),
    in_specs=[
        pl.BlockSpec((8, RT), lambda i: (0, i)),
        pl.BlockSpec((8, RT), lambda i: (0, i)),
        pl.BlockSpec((1, 8, N), _cseg),
        pl.BlockSpec((1, 8, N), _cseg),
    ],
    out_specs=pl.BlockSpec((1, 128), lambda i: (0, 0)),
    out_shape=jax.ShapeDtypeStruct((1, 128), jnp.float32),
    compiler_params=pltpu.CompilerParams(
        dimension_semantics=("arbitrary",),
    ),
)


def kernel(pos, x_hat):
    xs = jnp.concatenate([pos[:, :, 0], x_hat[:, :, 0]], axis=0)
    ys = jnp.concatenate([pos[:, :, 1], x_hat[:, :, 1]], axis=0)
    zs = jnp.concatenate([pos[:, :, 2], x_hat[:, :, 2]], axis=0)
    sc_partials = _chamfer_sc(xs, ys, zs)

    q = jnp.concatenate(
        [x_hat[0], x_hat[1], pos[0, QSC:], pos[1, QSC:]], axis=0
    )
    q8 = jnp.pad(q.T, ((0, 5), (0, 0)))
    cands = jnp.stack([pos[0], pos[1], x_hat[0], x_hat[1]])
    c8 = jnp.pad(jnp.transpose(cands, (0, 2, 1)), ((0, 0), (0, 5), (0, 0)))
    qb = q8.astype(jnp.bfloat16)
    cb = c8.astype(jnp.bfloat16)
    tc_part = _tc_call(q8, qb, c8, cb)

    total = jnp.sum(sc_partials) + jnp.sum(tc_part)
    return total * jnp.float32(1.0 / (2.0 * N))

# --- scband reference (transcript-rebuilt; emitter-appended) ---
"""Pipeline reference for scband-chamfer-pcc-rate-distortion-loss-27127013441605 (READ-ONLY COPY).

The authoritative reference and input builder live on the scoring server;
editing this copy changes nothing except your own understanding.
"""

import jax, jax.numpy as jnp
import numpy as np


def setup_inputs(seed: int = 0) -> dict:
    key = jax.random.key(seed)
    k1, k2 = jax.random.split(key)
    pos = jax.random.normal(k1, (2, 8192, 3), dtype=jnp.float32)
    x_hat = pos + 0.1 * jax.random.normal(k2, (2, 8192, 3), dtype=jnp.float32)
    return {"pos": pos, "x_hat": x_hat}


def _pairwise_sqdist(a, b):
    # a: [B, N, 3], b: [B, M, 3] -> [B, N, M]
    aa = jnp.sum(a * a, axis=-1)
    bb = jnp.sum(b * b, axis=-1)
    ab = jnp.einsum('bnc,bmc->bnm', a, b)
    return aa[:, :, None] + bb[:, None, :] - 2.0 * ab


def reference(pos, x_hat):
    # ChamferPccRateDistortionLoss.forward with output={'x_hat': x_hat}, target={'pos': pos}.
    # No 'likelihoods' in output -> compute_rate_loss returns {}; loss = lmbda['rec'] * rec_loss.
    lmbda_rec = 1.0
    # knnquery_heap(1, ...) == brute-force 1-NN: indices are constants (non-differentiable)
    d = _pairwise_sqdist(jax.lax.stop_gradient(pos), jax.lax.stop_gradient(x_hat))
    idx1 = jnp.argmin(d, axis=2)  # [B, N]: for each target point, nearest reconstructed point
    idx2 = jnp.argmin(d, axis=1)  # [B, M]: for each reconstructed point, nearest target point
    g1 = jnp.take_along_axis(x_hat, idx1[:, :, None], axis=1)
    dist1 = jnp.sum((pos - g1) ** 2, axis=-1)
    g2 = jnp.take_along_axis(pos, idx2[:, :, None], axis=1)
    dist2 = jnp.sum((x_hat - g2) ** 2, axis=-1)
    rec_loss = dist1.mean() + dist2.mean()
    loss = lmbda_rec * rec_loss
    return loss

if __name__ == "__main__":
    import jax
    _d = setup_inputs()
    print(jax.jit(kernel)(*tuple(_d.values())))

</pallas_src>

<mosaic_0001>
#map = affine_map<(d0, d1) -> (0, 0)>
module attributes {stable_mosaic.version = 14 : i64} {
  func.func @_chamfer_sc(%arg0: i32, %arg1: i32, %arg2: memref<4x8192xf32, #tpu.memory_space<hbm>>, %arg3: memref<4x8192xf32, #tpu.memory_space<hbm>>, %arg4: memref<4x8192xf32, #tpu.memory_space<hbm>>, %arg5: memref<32x16xf32, #tpu.memory_space<hbm>>, %arg6: memref<8192xf32, #tpu.memory_space<vmem>>, %arg7: memref<8192xf32, #tpu.memory_space<vmem>>, %arg8: memref<8192xf32, #tpu.memory_space<vmem>>, %arg9: memref<8192xf32, #tpu.memory_space<vmem>>, %arg10: memref<8192xf32, #tpu.memory_space<vmem>>, %arg11: memref<8192xf32, #tpu.memory_space<vmem>>, %arg12: memref<8192xf32, #tpu.memory_space<vmem>>, %arg13: memref<512xf32, #tpu.memory_space<vmem>>, %arg14: memref<512xf32, #tpu.memory_space<vmem>>, %arg15: memref<512xf32, #tpu.memory_space<vmem>>, %arg16: memref<16xf32, #tpu.memory_space<vmem>>) attributes {dimension_semantics = [#tpu.dimension_semantics<core_parallel>, #tpu.dimension_semantics<subcore_parallel>], iteration_bounds = array<i64: 2, 16>, scalar_prefetch = 0 : i64, scratch_operands = 11 : i64, tpu.core_type = #tpu.core_type<sc_vector_subcore>, window_params = [{transform_indices = #map}, {transform_indices = #map}, {transform_indices = #map}, {transform_indices = #map}]} {
    %mul3A = arith.constant 2 : i32
    %mul3A_0 = arith.muli %arg1, %mul3A : i32
    %add3A = arith.addi %mul3A_0, %arg0 : i32
    %jit3A = arith.constant 16 : i32
    %div3A = arith.divsi %add3A, %jit3A : i32
    %sign3A = arith.constant 0 : i32
    %sign3A_1 = arith.cmpi sgt, %add3A, %sign3A : i32
    %sign3A_2 = arith.extui %sign3A_1 : i1 to i32
    %sign3A_3 = arith.constant 0 : i32
    %sign3A_4 = arith.cmpi slt, %add3A, %sign3A_3 : i32
    %sign3A_5 = arith.extui %sign3A_4 : i1 to i32
    %sign3A_6 = arith.subi %sign3A_2, %sign3A_5 : i32
    %sign3A_7 = arith.constant 0 : i32
    %sign3A_8 = arith.cmpi sgt, %jit3A, %sign3A_7 : i32
    %sign3A_9 = arith.extui %sign3A_8 : i1 to i32
    %sign3A_10 = arith.constant 0 : i32
    %sign3A_11 = arith.cmpi slt, %jit3A, %sign3A_10 : i32
    %sign3A_12 = arith.extui %sign3A_11 : i1 to i32
    %sign3A_13 = arith.subi %sign3A_9, %sign3A_12 : i32
    %ne3A = arith.cmpi ne, %sign3A_6, %sign3A_13 : i32
    %rem3A = arith.remsi %add3A, %jit3A : i32
    %ne3A_14 = arith.constant 0 : i32
    %ne3A_15 = arith.cmpi ne, %rem3A, %ne3A_14 : i32
    %and3A = arith.andi %ne3A, %ne3A_15 : i1
    %sub3A = arith.constant 1 : i32
    %sub3A_16 = arith.subi %div3A, %sub3A : i32
    %select_n3A = arith.select %and3A, %sub3A_16, %div3A : i32
    %jit3A_17 = arith.constant 16 : i32
    %eq3A = arith.constant 0 : i32
    %eq3A_18 = arith.cmpi eq, %jit3A_17, %eq3A : i32
    %jit3A_19 = arith.constant 1 : i32
    %select_n3A_20 = arith.select %eq3A_18, %jit3A_19, %jit3A_17 : i32
    %rem3A_21 = arith.remsi %add3A, %select_n3A_20 : i32
    %ne3A_22 = arith.constant 0 : i32
    %ne3A_23 = arith.cmpi ne, %rem3A_21, %ne3A_22 : i32
    %lt3A = arith.constant 0 : i32
    %lt3A_24 = arith.cmpi slt, %rem3A_21, %lt3A : i32
    %lt3A_25 = arith.constant 0 : i32
    %lt3A_26 = arith.cmpi slt, %select_n3A_20, %lt3A_25 : i32
    %ne3A_27 = arith.xori %lt3A_24, %lt3A_26 : i1
    %and3A_28 = arith.andi %ne3A_27, %ne3A_23 : i1
    %add3A_29 = arith.addi %rem3A_21, %select_n3A_20 : i32
    %select_n3A_30 = arith.select %and3A_28, %add3A_29, %rem3A_21 : i32
    %add3A_31 = arith.constant 2 : i32
    %add3A_32 = arith.addi %add3A_31, %select_n3A : i32
    %mul3A_33 = arith.constant 512 : i32
    %mul3A_34 = arith.muli %select_n3A_30, %mul3A_33 : i32
    "tpu.region"() ({
      %run_scoped3A = tpu.sem_alloc : memref<!tpu.dma_semaphore, #tpu.memory_space<semaphore_mem>>
      %dma_start3A = arith.constant 0 : i32
      %dma_start3A_53 = tpu.memref_slice %arg2[%add3A_32, %dma_start3A] : memref<4x8192xf32, #tpu.memory_space<hbm>> -> memref<1x8192xf32, #tpu.memory_space<hbm>>
      %dma_start3A_54 = tpu.memref_squeeze %dma_start3A_53 : memref<1x8192xf32, #tpu.memory_space<hbm>> -> memref<8192xf32, #tpu.memory_space<hbm>>
      %dma_start3A_55 = arith.constant 0 : i32
      %dma_start3A_56 = tpu.memref_slice %arg2[%add3A_32, %dma_start3A_55] : memref<4x8192xf32, #tpu.memory_space<hbm>> -> memref<1x8192xf32, #tpu.memory_space<hbm>>
      %dma_start3A_57 = tpu.memref_squeeze %dma_start3A_56 : memref<1x8192xf32, #tpu.memory_space<hbm>> -> memref<8192xf32, #tpu.memory_space<hbm>>
      tpu.enqueue_dma source(%dma_start3A_57 : memref<8192xf32, #tpu.memory_space<hbm>>) target(%arg6 : memref<8192xf32, #tpu.memory_space<vmem>>) target_semaphore(%run_scoped3A : memref<!tpu.dma_semaphore, #tpu.memory_space<semaphore_mem>>)
      %dma_wait3A = arith.constant 0 : i32
      %dma_wait3A_58 = tpu.memref_slice %arg2[%add3A_32, %dma_wait3A] : memref<4x8192xf32, #tpu.memory_space<hbm>> -> memref<1x8192xf32, #tpu.memory_space<hbm>>
      %dma_wait3A_59 = tpu.memref_squeeze %dma_wait3A_58 : memref<1x8192xf32, #tpu.memory_space<hbm>> -> memref<8192xf32, #tpu.memory_space<hbm>>
      %dma_wait3A_60 = arith.constant 0 : i32
      %dma_wait3A_61 = tpu.memref_slice %arg2[%add3A_32, %dma_wait3A_60] : memref<4x8192xf32, #tpu.memory_space<hbm>> -> memref<1x8192xf32, #tpu.memory_space<hbm>>
      %dma_wait3A_62 = tpu.memref_squeeze %dma_wait3A_61 : memref<1x8192xf32, #tpu.memory_space<hbm>> -> memref<8192xf32, #tpu.memory_space<hbm>>
      tpu.wait_dma2 semaphore(%run_scoped3A : memref<!tpu.dma_semaphore, #tpu.memory_space<semaphore_mem>>) src(%dma_wait3A_62 : memref<8192xf32, #tpu.memory_space<hbm>>) dst(%arg6 : memref<8192xf32, #tpu.memory_space<vmem>>)
      tpu.yield
    }) : () -> ()
    "tpu.region"() ({
      %run_scoped3A = tpu.sem_alloc : memref<!tpu.dma_semaphore, #tpu.memory_space<semaphore_mem>>
      %dma_start3A = arith.constant 0 : i32
      %dma_start3A_53 = tpu.memref_slice %arg3[%add3A_32, %dma_start3A] : memref<4x8192xf32, #tpu.memory_space<hbm>> -> memref<1x8192xf32, #tpu.memory_space<hbm>>
      %dma_start3A_54 = tpu.memref_squeeze %dma_start3A_53 : memref<1x8192xf32, #tpu.memory_space<hbm>> -> memref<8192xf32, #tpu.memory_space<hbm>>
      %dma_start3A_55 = arith.constant 0 : i32
      %dma_start3A_56 = tpu.memref_slice %arg3[%add3A_32, %dma_start3A_55] : memref<4x8192xf32, #tpu.memory_space<hbm>> -> memref<1x8192xf32, #tpu.memory_space<hbm>>
      %dma_start3A_57 = tpu.memref_squeeze %dma_start3A_56 : memref<1x8192xf32, #tpu.memory_space<hbm>> -> memref<8192xf32, #tpu.memory_space<hbm>>
      tpu.enqueue_dma source(%dma_start3A_57 : memref<8192xf32, #tpu.memory_space<hbm>>) target(%arg7 : memref<8192xf32, #tpu.memory_space<vmem>>) target_semaphore(%run_scoped3A : memref<!tpu.dma_semaphore, #tpu.memory_space<semaphore_mem>>)
      %dma_wait3A = arith.constant 0 : i32
      %dma_wait3A_58 = tpu.memref_slice %arg3[%add3A_32, %dma_wait3A] : memref<4x8192xf32, #tpu.memory_space<hbm>> -> memref<1x8192xf32, #tpu.memory_space<hbm>>
      %dma_wait3A_59 = tpu.memref_squeeze %dma_wait3A_58 : memref<1x8192xf32, #tpu.memory_space<hbm>> -> memref<8192xf32, #tpu.memory_space<hbm>>
      %dma_wait3A_60 = arith.constant 0 : i32
      %dma_wait3A_61 = tpu.memref_slice %arg3[%add3A_32, %dma_wait3A_60] : memref<4x8192xf32, #tpu.memory_space<hbm>> -> memref<1x8192xf32, #tpu.memory_space<hbm>>
      %dma_wait3A_62 = tpu.memref_squeeze %dma_wait3A_61 : memref<1x8192xf32, #tpu.memory_space<hbm>> -> memref<8192xf32, #tpu.memory_space<hbm>>
      tpu.wait_dma2 semaphore(%run_scoped3A : memref<!tpu.dma_semaphore, #tpu.memory_space<semaphore_mem>>) src(%dma_wait3A_62 : memref<8192xf32, #tpu.memory_space<hbm>>) dst(%arg7 : memref<8192xf32, #tpu.memory_space<vmem>>)
      tpu.yield
    }) : () -> ()
    "tpu.region"() ({
      %run_scoped3A = tpu.sem_alloc : memref<!tpu.dma_semaphore, #tpu.memory_space<semaphore_mem>>
      %dma_start3A = arith.constant 0 : i32
      %dma_start3A_53 = tpu.memref_slice %arg4[%add3A_32, %dma_start3A] : memref<4x8192xf32, #tpu.memory_space<hbm>> -> memref<1x8192xf32, #tpu.memory_space<hbm>>
      %dma_start3A_54 = tpu.memref_squeeze %dma_start3A_53 : memref<1x8192xf32, #tpu.memory_space<hbm>> -> memref<8192xf32, #tpu.memory_space<hbm>>
      %dma_start3A_55 = arith.constant 0 : i32
      %dma_start3A_56 = tpu.memref_slice %arg4[%add3A_32, %dma_start3A_55] : memref<4x8192xf32, #tpu.memory_space<hbm>> -> memref<1x8192xf32, #tpu.memory_space<hbm>>
      %dma_start3A_57 = tpu.memref_squeeze %dma_start3A_56 : memref<1x8192xf32, #tpu.memory_space<hbm>> -> memref<8192xf32, #tpu.memory_space<hbm>>
      tpu.enqueue_dma source(%dma_start3A_57 : memref<8192xf32, #tpu.memory_space<hbm>>) target(%arg8 : memref<8192xf32, #tpu.memory_space<vmem>>) target_semaphore(%run_scoped3A : memref<!tpu.dma_semaphore, #tpu.memory_space<semaphore_mem>>)
      %dma_wait3A = arith.constant 0 : i32
      %dma_wait3A_58 = tpu.memref_slice %arg4[%add3A_32, %dma_wait3A] : memref<4x8192xf32, #tpu.memory_space<hbm>> -> memref<1x8192xf32, #tpu.memory_space<hbm>>
      %dma_wait3A_59 = tpu.memref_squeeze %dma_wait3A_58 : memref<1x8192xf32, #tpu.memory_space<hbm>> -> memref<8192xf32, #tpu.memory_space<hbm>>
      %dma_wait3A_60 = arith.constant 0 : i32
      %dma_wait3A_61 = tpu.memref_slice %arg4[%add3A_32, %dma_wait3A_60] : memref<4x8192xf32, #tpu.memory_space<hbm>> -> memref<1x8192xf32, #tpu.memory_space<hbm>>
      %dma_wait3A_62 = tpu.memref_squeeze %dma_wait3A_61 : memref<1x8192xf32, #tpu.memory_space<hbm>> -> memref<8192xf32, #tpu.memory_space<hbm>>
      tpu.wait_dma2 semaphore(%run_scoped3A : memref<!tpu.dma_semaphore, #tpu.memory_space<semaphore_mem>>) src(%dma_wait3A_62 : memref<8192xf32, #tpu.memory_space<hbm>>) dst(%arg8 : memref<8192xf32, #tpu.memory_space<vmem>>)
      tpu.yield
    }) : () -> ()
    "tpu.region"() ({
      %run_scoped3A = tpu.sem_alloc : memref<!tpu.dma_semaphore, #tpu.memory_space<semaphore_mem>>
      %dma_start3A = tpu.memref_slice %arg2[%select_n3A, %mul3A_34] : memref<4x8192xf32, #tpu.memory_space<hbm>> -> memref<1x512xf32, #tpu.memory_space<hbm>>
      %dma_start3A_53 = tpu.memref_squeeze %dma_start3A : memref<1x512xf32, #tpu.memory_space<hbm>> -> memref<512xf32, #tpu.memory_space<hbm>>
      %dma_start3A_54 = tpu.memref_slice %arg2[%select_n3A, %mul3A_34] : memref<4x8192xf32, #tpu.memory_space<hbm>> -> memref<1x512xf32, #tpu.memory_space<hbm>>
      %dma_start3A_55 = tpu.memref_squeeze %dma_start3A_54 : memref<1x512xf32, #tpu.memory_space<hbm>> -> memref<512xf32, #tpu.memory_space<hbm>>
      tpu.enqueue_dma source(%dma_start3A_55 : memref<512xf32, #tpu.memory_space<hbm>>) target(%arg13 : memref<512xf32, #tpu.memory_space<vmem>>) target_semaphore(%run_scoped3A : memref<!tpu.dma_semaphore, #tpu.memory_space<semaphore_mem>>)
      %dma_wait3A = tpu.memref_slice %arg2[%select_n3A, %mul3A_34] : memref<4x8192xf32, #tpu.memory_space<hbm>> -> memref<1x512xf32, #tpu.memory_space<hbm>>
      %dma_wait3A_56 = tpu.memref_squeeze %dma_wait3A : memref<1x512xf32, #tpu.memory_space<hbm>> -> memref<512xf32, #tpu.memory_space<hbm>>
      %dma_wait3A_57 = tpu.memref_slice %arg2[%select_n3A, %mul3A_34] : memref<4x8192xf32, #tpu.memory_space<hbm>> -> memref<1x512xf32, #tpu.memory_space<hbm>>
      %dma_wait3A_58 = tpu.memref_squeeze %dma_wait3A_57 : memref<1x512xf32, #tpu.memory_space<hbm>> -> memref<512xf32, #tpu.memory_space<hbm>>
      tpu.wait_dma2 semaphore(%run_scoped3A : memref<!tpu.dma_semaphore, #tpu.memory_space<semaphore_mem>>) src(%dma_wait3A_58 : memref<512xf32, #tpu.memory_space<hbm>>) dst(%arg13 : memref<512xf32, #tpu.memory_space<vmem>>)
      tpu.yield
    }) : () -> ()
    "tpu.region"() ({
      %run_scoped3A = tpu.sem_alloc : memref<!tpu.dma_semaphore, #tpu.memory_space<semaphore_mem>>
      %dma_start3A = tpu.memref_slice %arg3[%select_n3A, %mul3A_34] : memref<4x8192xf32, #tpu.memory_space<hbm>> -> memref<1x512xf32, #tpu.memory_space<hbm>>
      %dma_start3A_53 = tpu.memref_squeeze %dma_start3A : memref<1x512xf32, #tpu.memory_space<hbm>> -> memref<512xf32, #tpu.memory_space<hbm>>
      %dma_start3A_54 = tpu.memref_slice %arg3[%select_n3A, %mul3A_34] : memref<4x8192xf32, #tpu.memory_space<hbm>> -> memref<1x512xf32, #tpu.memory_space<hbm>>
      %dma_start3A_55 = tpu.memref_squeeze %dma_start3A_54 : memref<1x512xf32, #tpu.memory_space<hbm>> -> memref<512xf32, #tpu.memory_space<hbm>>
      tpu.enqueue_dma source(%dma_start3A_55 : memref<512xf32, #tpu.memory_space<hbm>>) target(%arg14 : memref<512xf32, #tpu.memory_space<vmem>>) target_semaphore(%run_scoped3A : memref<!tpu.dma_semaphore, #tpu.memory_space<semaphore_mem>>)
      %dma_wait3A = tpu.memref_slice %arg3[%select_n3A, %mul3A_34] : memref<4x8192xf32, #tpu.memory_space<hbm>> -> memref<1x512xf32, #tpu.memory_space<hbm>>
      %dma_wait3A_56 = tpu.memref_squeeze %dma_wait3A : memref<1x512xf32, #tpu.memory_space<hbm>> -> memref<512xf32, #tpu.memory_space<hbm>>
      %dma_wait3A_57 = tpu.memref_slice %arg3[%select_n3A, %mul3A_34] : memref<4x8192xf32, #tpu.memory_space<hbm>> -> memref<1x512xf32, #tpu.memory_space<hbm>>
      %dma_wait3A_58 = tpu.memref_squeeze %dma_wait3A_57 : memref<1x512xf32, #tpu.memory_space<hbm>> -> memref<512xf32, #tpu.memory_space<hbm>>
      tpu.wait_dma2 semaphore(%run_scoped3A : memref<!tpu.dma_semaphore, #tpu.memory_space<semaphore_mem>>) src(%dma_wait3A_58 : memref<512xf32, #tpu.memory_space<hbm>>) dst(%arg14 : memref<512xf32, #tpu.memory_space<vmem>>)
      tpu.yield
    }) : () -> ()
    "tpu.region"() ({
      %run_scoped3A = tpu.sem_alloc : memref<!tpu.dma_semaphore, #tpu.memory_space<semaphore_mem>>
      %dma_start3A = tpu.memref_slice %arg4[%select_n3A, %mul3A_34] : memref<4x8192xf32, #tpu.memory_space<hbm>> -> memref<1x512xf32, #tpu.memory_space<hbm>>
      %dma_start3A_53 = tpu.memref_squeeze %dma_start3A : memref<1x512xf32, #tpu.memory_space<hbm>> -> memref<512xf32, #tpu.memory_space<hbm>>
      %dma_start3A_54 = tpu.memref_slice %arg4[%select_n3A, %mul3A_34] : memref<4x8192xf32, #tpu.memory_space<hbm>> -> memref<1x512xf32, #tpu.memory_space<hbm>>
      %dma_start3A_55 = tpu.memref_squeeze %dma_start3A_54 : memref<1x512xf32, #tpu.memory_space<hbm>> -> memref<512xf32, #tpu.memory_space<hbm>>
      tpu.enqueue_dma source(%dma_start3A_55 : memref<512xf32, #tpu.memory_space<hbm>>) target(%arg15 : memref<512xf32, #tpu.memory_space<vmem>>) target_semaphore(%run_scoped3A : memref<!tpu.dma_semaphore, #tpu.memory_space<semaphore_mem>>)
      %dma_wait3A = tpu.memref_slice %arg4[%select_n3A, %mul3A_34] : memref<4x8192xf32, #tpu.memory_space<hbm>> -> memref<1x512xf32, #tpu.memory_space<hbm>>
      %dma_wait3A_56 = tpu.memref_squeeze %dma_wait3A : memref<1x512xf32, #tpu.memory_space<hbm>> -> memref<512xf32, #tpu.memory_space<hbm>>
      %dma_wait3A_57 = tpu.memref_slice %arg4[%select_n3A, %mul3A_34] : memref<4x8192xf32, #tpu.memory_space<hbm>> -> memref<1x512xf32, #tpu.memory_space<hbm>>
      %dma_wait3A_58 = tpu.memref_squeeze %dma_wait3A_57 : memref<1x512xf32, #tpu.memory_space<hbm>> -> memref<512xf32, #tpu.memory_space<hbm>>
      tpu.wait_dma2 semaphore(%run_scoped3A : memref<!tpu.dma_semaphore, #tpu.memory_space<semaphore_mem>>) src(%dma_wait3A_58 : memref<512xf32, #tpu.memory_space<hbm>>) dst(%arg15 : memref<512xf32, #tpu.memory_space<vmem>>)
      tpu.yield
    }) : () -> ()
    %scan3A = arith.constant 0 : i32
    %scan3A_35 = arith.constant 0 : i32
    %scan3A_36 = arith.constant 512 : i32
    %scan3A_37 = arith.addi %scan3A_35, %scan3A_36 : i32
    %scan3A_38 = arith.constant 1 : i32
    scf.for %scan3A_53 = %scan3A_35 to %scan3A_37 step %scan3A_38  : i32 {
      %mul3A_54 = arith.constant 16 : i32
      %mul3A_55 = arith.muli %scan3A_53, %mul3A_54 : i32
      %get3A = arith.index_cast %mul3A_55 : i32 to index
      %get3A_56 = tpu.vector_load %arg6[%get3A] {strides = array<i32>} : memref<8192xf32, #tpu.memory_space<vmem>>, vector<16xf32>,
      %get3A_57 = arith.index_cast %mul3A_55 : i32 to index
      %get3A_58 = tpu.vector_load %arg7[%get3A_57] {strides = array<i32>} : memref<8192xf32, #tpu.memory_space<vmem>>, vector<16xf32>,
      %get3A_59 = arith.index_cast %mul3A_55 : i32 to index
      %get3A_60 = tpu.vector_load %arg8[%get3A_59] {strides = array<i32>} : memref<8192xf32, #tpu.memory_space<vmem>>, vector<16xf32>,
      %mul3A_61 = arith.mulf %get3A_56, %get3A_56 : vector<16xf32>
      %mul3A_62 = arith.mulf %get3A_58, %get3A_58 : vector<16xf32>
      %add3A_63 = arith.addf %mul3A_61, %mul3A_62 : vector<16xf32>
      %mul3A_64 = arith.mulf %get3A_60, %get3A_60 : vector<16xf32>
      %add3A_65 = arith.addf %add3A_63, %mul3A_64 : vector<16xf32>
      %swap3A_66 = arith.index_cast %mul3A_55 : i32 to index
      %swap3A_67 = tpu.vector_load %arg12[%swap3A_66] {strides = array<i32>} : memref<8192xf32, #tpu.memory_space<vmem>>, vector<16xf32>,
      tpu.vector_store %arg12[%swap3A_66], %add3A_65 {strides = array<i32>} : memref<8192xf32, #tpu.memory_space<vmem>>, vector<16xf32>,
      %bitcast3A = vector.bitcast %get3A_56 : vector<16xf32> to vector<16xi32>
      %shift_right_logical3A = arith.constant 16 : i32
      %shift_right_logical3A_68 = vector.broadcast %shift_right_logical3A : i32 to vector<16xi32>
      %shift_right_logical3A_69 = arith.shrui %bitcast3A, %shift_right_logical3A_68 : vector<16xi32>
      %and3A_70 = arith.constant 1 : i32
      %and3A_71 = vector.broadcast %and3A_70 : i32 to vector<16xi32>
      %and3A_72 = arith.andi %shift_right_logical3A_69, %and3A_71 : vector<16xi32>
      %add3A_73 = arith.constant 32767 : i32
      %add3A_74 = vector.broadcast %add3A_73 : i32 to vector<16xi32>
      %add3A_75 = arith.addi %bitcast3A, %add3A_74 : vector<16xi32>
      %add3A_76 = arith.addi %add3A_75, %and3A_72 : vector<16xi32>
      %and3A_77 = arith.constant -65536 : i32
      %and3A_78 = vector.broadcast %and3A_77 : i32 to vector<16xi32>
      %and3A_79 = arith.andi %add3A_76, %and3A_78 : vector<16xi32>
      %bitcast3A_80 = vector.bitcast %and3A_79 : vector<16xi32> to vector<16xf32>
      %swap3A_81 = arith.index_cast %mul3A_55 : i32 to index
      %swap3A_82 = tpu.vector_load %arg9[%swap3A_81] {strides = array<i32>} : memref<8192xf32, #tpu.memory_space<vmem>>, vector<16xf32>,
      tpu.vector_store %arg9[%swap3A_81], %bitcast3A_80 {strides = array<i32>} : memref<8192xf32, #tpu.memory_space<vmem>>, vector<16xf32>,
      %bitcast3A_83 = vector.bitcast %get3A_58 : vector<16xf32> to vector<16xi32>
      %shift_right_logical3A_84 = arith.constant 16 : i32
      %shift_right_logical3A_85 = vector.broadcast %shift_right_logical3A_84 : i32 to vector<16xi32>
      %shift_right_logical3A_86 = arith.shrui %bitcast3A_83, %shift_right_logical3A_85 : vector<16xi32>
      %and3A_87 = arith.constant 1 : i32
      %and3A_88 = vector.broadcast %and3A_87 : i32 to vector<16xi32>
      %and3A_89 = arith.andi %shift_right_logical3A_86, %and3A_88 : vector<16xi32>
      %add3A_90 = arith.constant 32767 : i32
      %add3A_91 = vector.broadcast %add3A_90 : i32 to vector<16xi32>
      %add3A_92 = arith.addi %bitcast3A_83, %add3A_91 : vector<16xi32>
      %add3A_93 = arith.addi %add3A_92, %and3A_89 : vector<16xi32>
      %and3A_94 = arith.constant -65536 : i32
      %and3A_95 = vector.broadcast %and3A_94 : i32 to vector<16xi32>
      %and3A_96 = arith.andi %add3A_93, %and3A_95 : vector<16xi32>
      %bitcast3A_97 = vector.bitcast %and3A_96 : vector<16xi32> to vector<16xf32>
      %swap3A_98 = arith.index_cast %mul3A_55 : i32 to index
      %swap3A_99 = tpu.vector_load %arg10[%swap3A_98] {strides = array<i32>} : memref<8192xf32, #tpu.memory_space<vmem>>, vector<16xf32>,
      tpu.vector_store %arg10[%swap3A_98], %bitcast3A_97 {strides = array<i32>} : memref<8192xf32, #tpu.memory_space<vmem>>, vector<16xf32>,
      %bitcast3A_100 = vector.bitcast %get3A_60 : vector<16xf32> to vector<16xi32>
      %shift_right_logical3A_101 = arith.constant 16 : i32
      %shift_right_logical3A_102 = vector.broadcast %shift_right_logical3A_101 : i32 to vector<16xi32>
      %shift_right_logical3A_103 = arith.shrui %bitcast3A_100, %shift_right_logical3A_102 : vector<16xi32>
      %and3A_104 = arith.constant 1 : i32
      %and3A_105 = vector.broadcast %and3A_104 : i32 to vector<16xi32>
      %and3A_106 = arith.andi %shift_right_logical3A_103, %and3A_105 : vector<16xi32>
      %add3A_107 = arith.constant 32767 : i32
      %add3A_108 = vector.broadcast %add3A_107 : i32 to vector<16xi32>
      %add3A_109 = arith.addi %bitcast3A_100, %add3A_108 : vector<16xi32>
      %add3A_110 = arith.addi %add3A_109, %and3A_106 : vector<16xi32>
      %and3A_111 = arith.constant -65536 : i32
      %and3A_112 = vector.broadcast %and3A_111 : i32 to vector<16xi32>
      %and3A_113 = arith.andi %add3A_110, %and3A_112 : vector<16xi32>
      %bitcast3A_114 = vector.bitcast %and3A_113 : vector<16xi32> to vector<16xf32>
      %swap3A_115 = arith.index_cast %mul3A_55 : i32 to index
      %swap3A_116 = tpu.vector_load %arg11[%swap3A_115] {strides = array<i32>} : memref<8192xf32, #tpu.memory_space<vmem>>, vector<16xf32>,
      tpu.vector_store %arg11[%swap3A_115], %bitcast3A_114 {strides = array<i32>} : memref<8192xf32, #tpu.memory_space<vmem>>, vector<16xf32>,
    }
    %scan3A_39 = arith.constant 512 : i32
    %broadcast_in_dim3A = arith.constant 3.000000e+38 : f32
    %broadcast_in_dim3A_40 = vector.broadcast %broadcast_in_dim3A : f32 to vector<16xf32>
    %broadcast_in_dim3A_41 = arith.constant 0 : i32
    %broadcast_in_dim3A_42 = vector.broadcast %broadcast_in_dim3A_41 : i32 to vector<16xi32>
    %iota3A = tpu.iota {dimensions = array<i32: 0>} : vector<16xi32>
    %broadcast_in_dim3A_43 = arith.constant 0.000000e+00 : f32
    %broadcast_in_dim3A_44 = vector.broadcast %broadcast_in_dim3A_43 : f32 to vector<16xf32>
    %scan3A_45 = arith.constant 2147483647 : i32
    %scan3A_46 = arith.constant 0 : i32
    %scan3A_47 = arith.constant 32 : i32
    %scan3A_48 = arith.addi %scan3A_46, %scan3A_47 : i32
    %scan3A_49 = arith.constant 1 : i32
    %scan3A_50 = scf.for %scan3A_53 = %scan3A_46 to %scan3A_48 step %scan3A_49 iter_args(%scan3A_54 = %broadcast_in_dim3A_44) -> (vector<16xf32>)  : i32 {
      %mul3A_55 = arith.constant 16 : i32
      %mul3A_56 = arith.muli %scan3A_53, %mul3A_55 : i32
      %get3A = arith.index_cast %mul3A_56 : i32 to index
      %get3A_57 = tpu.vector_load %arg13[%get3A] {strides = array<i32>} : memref<512xf32, #tpu.memory_space<vmem>>, vector<16xf32>,
      %get3A_58 = arith.index_cast %mul3A_56 : i32 to index
      %get3A_59 = tpu.vector_load %arg14[%get3A_58] {strides = array<i32>} : memref<512xf32, #tpu.memory_space<vmem>>, vector<16xf32>,
      %get3A_60 = arith.index_cast %mul3A_56 : i32 to index
      %get3A_61 = tpu.vector_load %arg15[%get3A_60] {strides = array<i32>} : memref<512xf32, #tpu.memory_space<vmem>>, vector<16xf32>,
      %bitcast3A = vector.bitcast %get3A_57 : vector<16xf32> to vector<16xi32>
      %shift_right_logical3A = arith.constant 16 : i32
      %shift_right_logical3A_62 = vector.broadcast %shift_right_logical3A : i32 to vector<16xi32>
      %shift_right_logical3A_63 = arith.shrui %bitcast3A, %shift_right_logical3A_62 : vector<16xi32>
      %and3A_64 = arith.constant 1 : i32
      %and3A_65 = vector.broadcast %and3A_64 : i32 to vector<16xi32>
      %and3A_66 = arith.andi %shift_right_logical3A_63, %and3A_65 : vector<16xi32>
      %add3A_67 = arith.constant 32767 : i32
      %add3A_68 = vector.broadcast %add3A_67 : i32 to vector<16xi32>
      %add3A_69 = arith.addi %bitcast3A, %add3A_68 : vector<16xi32>
      %add3A_70 = arith.addi %add3A_69, %and3A_66 : vector<16xi32>
      %and3A_71 = arith.constant -65536 : i32
      %and3A_72 = vector.broadcast %and3A_71 : i32 to vector<16xi32>
      %and3A_73 = arith.andi %add3A_70, %and3A_72 : vector<16xi32>
      %bitcast3A_74 = vector.bitcast %and3A_73 : vector<16xi32> to vector<16xf32>
      %mul3A_75 = arith.constant -2.000000e+00 : f32
      %mul3A_76 = vector.broadcast %mul3A_75 : f32 to vector<16xf32>
      %mul3A_77 = arith.mulf %mul3A_76, %bitcast3A_74 : vector<16xf32>
      %bitcast3A_78 = vector.bitcast %get3A_59 : vector<16xf32> to vector<16xi32>
      %shift_right_logical3A_79 = arith.constant 16 : i32
      %shift_right_logical3A_80 = vector.broadcast %shift_right_logical3A_79 : i32 to vector<16xi32>
      %shift_right_logical3A_81 = arith.shrui %bitcast3A_78, %shift_right_logical3A_80 : vector<16xi32>
      %and3A_82 = arith.constant 1 : i32
      %and3A_83 = vector.broadcast %and3A_82 : i32 to vector<16xi32>
      %and3A_84 = arith.andi %shift_right_logical3A_81, %and3A_83 : vector<16xi32>
      %add3A_85 = arith.constant 32767 : i32
      %add3A_86 = vector.broadcast %add3A_85 : i32 to vector<16xi32>
      %add3A_87 = arith.addi %bitcast3A_78, %add3A_86 : vector<16xi32>
      %add3A_88 = arith.addi %add3A_87, %and3A_84 : vector<16xi32>
      %and3A_89 = arith.constant -65536 : i32
      %and3A_90 = vector.broadcast %and3A_89 : i32 to vector<16xi32>
      %and3A_91 = arith.andi %add3A_88, %and3A_90 : vector<16xi32>
      %bitcast3A_92 = vector.bitcast %and3A_91 : vector<16xi32> to vector<16xf32>
      %mul3A_93 = arith.constant -2.000000e+00 : f32
      %mul3A_94 = vector.broadcast %mul3A_93 : f32 to vector<16xf32>
      %mul3A_95 = arith.mulf %mul3A_94, %bitcast3A_92 : vector<16xf32>
      %bitcast3A_96 = vector.bitcast %get3A_61 : vector<16xf32> to vector<16xi32>
      %shift_right_logical3A_97 = arith.constant 16 : i32
      %shift_right_logical3A_98 = vector.broadcast %shift_right_logical3A_97 : i32 to vector<16xi32>
      %shift_right_logical3A_99 = arith.shrui %bitcast3A_96, %shift_right_logical3A_98 : vector<16xi32>
      %and3A_100 = arith.constant 1 : i32
      %and3A_101 = vector.broadcast %and3A_100 : i32 to vector<16xi32>
      %and3A_102 = arith.andi %shift_right_logical3A_99, %and3A_101 : vector<16xi32>
      %add3A_103 = arith.constant 32767 : i32
      %add3A_104 = vector.broadcast %add3A_103 : i32 to vector<16xi32>
      %add3A_105 = arith.addi %bitcast3A_96, %add3A_104 : vector<16xi32>
      %add3A_106 = arith.addi %add3A_105, %and3A_102 : vector<16xi32>
      %and3A_107 = arith.constant -65536 : i32
      %and3A_108 = vector.broadcast %and3A_107 : i32 to vector<16xi32>
      %and3A_109 = arith.andi %add3A_106, %and3A_108 : vector<16xi32>
      %bitcast3A_110 = vector.bitcast %and3A_109 : vector<16xi32> to vector<16xf32>
      %mul3A_111 = arith.constant -2.000000e+00 : f32
      %mul3A_112 = vector.broadcast %mul3A_111 : f32 to vector<16xf32>
      %mul3A_113 = arith.mulf %mul3A_112, %bitcast3A_110 : vector<16xf32>
      %slice3A = vector.extract_strided_slice %mul3A_77 {offsets = [0], sizes = [1], strides = [1]} : vector<16xf32> to vector<1xf32>
      %squeeze3A = vector.extract %slice3A[0] : f32 from vector<1xf32>
      %slice3A_114 = vector.extract_strided_slice %mul3A_77 {offsets = [1], sizes = [1], strides = [1]} : vector<16xf32> to vector<1xf32>
      %squeeze3A_115 = vector.extract %slice3A_114[0] : f32 from vector<1xf32>
      %slice3A_116 = vector.extract_strided_slice %mul3A_77 {offsets = [2], sizes = [1], strides = [1]} : vector<16xf32> to vector<1xf32>
      %squeeze3A_117 = vector.extract %slice3A_116[0] : f32 from vector<1xf32>
      %slice3A_118 = vector.extract_strided_slice %mul3A_77 {offsets = [3], sizes = [1], strides = [1]} : vector<16xf32> to vector<1xf32>
      %squeeze3A_119 = vector.extract %slice3A_118[0] : f32 from vector<1xf32>
      %slice3A_120 = vector.extract_strided_slice %mul3A_77 {offsets = [4], sizes = [1], strides = [1]} : vector<16xf32> to vector<1xf32>
      %squeeze3A_121 = vector.extract %slice3A_120[0] : f32 from vector<1xf32>
      %slice3A_122 = vector.extract_strided_slice %mul3A_77 {offsets = [5], sizes = [1], strides = [1]} : vector<16xf32> to vector<1xf32>
      %squeeze3A_123 = vector.extract %slice3A_122[0] : f32 from vector<1xf32>
      %slice3A_124 = vector.extract_strided_slice %mul3A_77 {offsets = [6], sizes = [1], strides = [1]} : vector<16xf32> to vector<1xf32>
      %squeeze3A_125 = vector.extract %slice3A_124[0] : f32 from vector<1xf32>
      %slice3A_126 = vector.extract_strided_slice %mul3A_77 {offsets = [7], sizes = [1], strides = [1]} : vector<16xf32> to vector<1xf32>
      %squeeze3A_127 = vector.extract %slice3A_126[0] : f32 from vector<1xf32>
      %slice3A_128 = vector.extract_strided_slice %mul3A_95 {offsets = [0], sizes = [1], strides = [1]} : vector<16xf32> to vector<1xf32>
      %squeeze3A_129 = vector.extract %slice3A_128[0] : f32 from vector<1xf32>
      %slice3A_130 = vector.extract_strided_slice %mul3A_95 {offsets = [1], sizes = [1], strides = [1]} : vector<16xf32> to vector<1xf32>
      %squeeze3A_131 = vector.extract %slice3A_130[0] : f32 from vector<1xf32>
      %slice3A_132 = vector.extract_strided_slice %mul3A_95 {offsets = [2], sizes = [1], strides = [1]} : vector<16xf32> to vector<1xf32>
      %squeeze3A_133 = vector.extract %slice3A_132[0] : f32 from vector<1xf32>
      %slice3A_134 = vector.extract_strided_slice %mul3A_95 {offsets = [3], sizes = [1], strides = [1]} : vector<16xf32> to vector<1xf32>
      %squeeze3A_135 = vector.extract %slice3A_134[0] : f32 from vector<1xf32>
      %slice3A_136 = vector.extract_strided_slice %mul3A_95 {offsets = [4], sizes = [1], strides = [1]} : vector<16xf32> to vector<1xf32>
      %squeeze3A_137 = vector.extract %slice3A_136[0] : f32 from vector<1xf32>
      %slice3A_138 = vector.extract_strided_slice %mul3A_95 {offsets = [5], sizes = [1], strides = [1]} : vector<16xf32> to vector<1xf32>
      %squeeze3A_139 = vector.extract %slice3A_138[0] : f32 from vector<1xf32>
      %slice3A_140 = vector.extract_strided_slice %mul3A_95 {offsets = [6], sizes = [1], strides = [1]} : vector<16xf32> to vector<1xf32>
      %squeeze3A_141 = vector.extract %slice3A_140[0] : f32 from vector<1xf32>
      %slice3A_142 = vector.extract_strided_slice %mul3A_95 {offsets = [7], sizes = [1], strides = [1]} : vector<16xf32> to vector<1xf32>
      %squeeze3A_143 = vector.extract %slice3A_142[0] : f32 from vector<1xf32>
      %slice3A_144 = vector.extract_strided_slice %mul3A_113 {offsets = [0], sizes = [1], strides = [1]} : vector<16xf32> to vector<1xf32>
      %squeeze3A_145 = vector.extract %slice3A_144[0] : f32 from vector<1xf32>
      %slice3A_146 = vector.extract_strided_slice %mul3A_113 {offsets = [1], sizes = [1], strides = [1]} : vector<16xf32> to vector<1xf32>
      %squeeze3A_147 = vector.extract %slice3A_146[0] : f32 from vector<1xf32>
      %slice3A_148 = vector.extract_strided_slice %mul3A_113 {offsets = [2], sizes = [1], strides = [1]} : vector<16xf32> to vector<1xf32>
      %squeeze3A_149 = vector.extract %slice3A_148[0] : f32 from vector<1xf32>
      %slice3A_150 = vector.extract_strided_slice %mul3A_113 {offsets = [3], sizes = [1], strides = [1]} : vector<16xf32> to vector<1xf32>
      %squeeze3A_151 = vector.extract %slice3A_150[0] : f32 from vector<1xf32>
      %slice3A_152 = vector.extract_strided_slice %mul3A_113 {offsets = [4], sizes = [1], strides = [1]} : vector<16xf32> to vector<1xf32>
      %squeeze3A_153 = vector.extract %slice3A_152[0] : f32 from vector<1xf32>
      %slice3A_154 = vector.extract_strided_slice %mul3A_113 {offsets = [5], sizes = [1], strides = [1]} : vector<16xf32> to vector<1xf32>
      %squeeze3A_155 = vector.extract %slice3A_154[0] : f32 from vector<1xf32>
      %slice3A_156 = vector.extract_strided_slice %mul3A_113 {offsets = [6], sizes = [1], strides = [1]} : vector<16xf32> to vector<1xf32>
      %squeeze3A_157 = vector.extract %slice3A_156[0] : f32 from vector<1xf32>
      %slice3A_158 = vector.extract_strided_slice %mul3A_113 {offsets = [7], sizes = [1], strides = [1]} : vector<16xf32> to vector<1xf32>
      %squeeze3A_159 = vector.extract %slice3A_158[0] : f32 from vector<1xf32>
      %scan3A_160 = arith.constant 0 : i32
      %scan3A_161 = arith.constant 512 : i32
      %scan3A_162 = arith.addi %scan3A_160, %scan3A_161 : i32
      %scan3A_163 = arith.constant 2 : i32
      %scan3A_164:17 = scf.for %scan3A_789 = %scan3A_160 to %scan3A_162 step %scan3A_163 iter_args(%scan3A_790 = %broadcast_in_dim3A_40, %scan3A_791 = %broadcast_in_dim3A_40, %scan3A_792 = %broadcast_in_dim3A_40, %scan3A_793 = %broadcast_in_dim3A_40, %scan3A_794 = %broadcast_in_dim3A_40, %scan3A_795 = %broadcast_in_dim3A_40, %scan3A_796 = %broadcast_in_dim3A_40, %scan3A_797 = %broadcast_in_dim3A_40, %scan3A_798 = %broadcast_in_dim3A_42, %scan3A_799 = %broadcast_in_dim3A_42, %scan3A_800 = %broadcast_in_dim3A_42, %scan3A_801 = %broadcast_in_dim3A_42, %scan3A_802 = %broadcast_in_dim3A_42, %scan3A_803 = %broadcast_in_dim3A_42, %scan3A_804 = %broadcast_in_dim3A_42, %scan3A_805 = %broadcast_in_dim3A_42, %scan3A_806 = %iota3A) -> (vector<16xf32>, vector<16xf32>, vector<16xf32>, vector<16xf32>, vector<16xf32>, vector<16xf32>, vector<16xf32>, vector<16xf32>, vector<16xi32>, vector<16xi32>, vector<16xi32>, vector<16xi32>, vector<16xi32>, vector<16xi32>, vector<16xi32>, vector<16xi32>, vector<16xi32>)  : i32 {
        %mul3A_807 = arith.constant 16 : i32
        %mul3A_808 = arith.muli %scan3A_789, %mul3A_807 : i32
        %get3A_809 = arith.index_cast %mul3A_808 : i32 to index
        %get3A_810 = tpu.vector_load %arg9[%get3A_809] {strides = array<i32>} : memref<8192xf32, #tpu.memory_space<vmem>>, vector<16xf32>,
        %get3A_811 = arith.index_cast %mul3A_808 : i32 to index
        %get3A_812 = tpu.vector_load %arg10[%get3A_811] {strides = array<i32>} : memref<8192xf32, #tpu.memory_space<vmem>>, vector<16xf32>,
        %get3A_813 = arith.index_cast %mul3A_808 : i32 to index
        %get3A_814 = tpu.vector_load %arg11[%get3A_813] {strides = array<i32>} : memref<8192xf32, #tpu.memory_space<vmem>>, vector<16xf32>,
        %get3A_815 = arith.index_cast %mul3A_808 : i32 to index
        %get3A_816 = tpu.vector_load %arg12[%get3A_815] {strides = array<i32>} : memref<8192xf32, #tpu.memory_space<vmem>>, vector<16xf32>,
        %mul3A_817 = vector.broadcast %squeeze3A : f32 to vector<16xf32>
        %mul3A_818 = arith.mulf %get3A_810, %mul3A_817 : vector<16xf32>
        %add3A_819 = arith.addf %get3A_816, %mul3A_818 : vector<16xf32>
        %mul3A_820 = vector.broadcast %squeeze3A_129 : f32 to vector<16xf32>
        %mul3A_821 = arith.mulf %get3A_812, %mul3A_820 : vector<16xf32>
        %add3A_822 = arith.addf %add3A_819, %mul3A_821 : vector<16xf32>
        %mul3A_823 = vector.broadcast %squeeze3A_145 : f32 to vector<16xf32>
        %mul3A_824 = arith.mulf %get3A_814, %mul3A_823 : vector<16xf32>
        %add3A_825 = arith.addf %add3A_822, %mul3A_824 : vector<16xf32>
        %lt3A_826 = arith.cmpf olt, %add3A_825, %scan3A_790 : vector<16xf32>
        %select_n3A_827 = arith.select %lt3A_826, %add3A_825, %scan3A_790 : vector<16xi1>, vector<16xf32>
        %select_n3A_828 = arith.select %lt3A_826, %scan3A_806, %scan3A_798 : vector<16xi1>, vector<16xi32>
        %mul3A_829 = vector.broadcast %squeeze3A_115 : f32 to vector<16xf32>
        %mul3A_830 = arith.mulf %get3A_810, %mul3A_829 : vector<16xf32>
        %add3A_831 = arith.addf %get3A_816, %mul3A_830 : vector<16xf32>
        %mul3A_832 = vector.broadcast %squeeze3A_131 : f32 to vector<16xf32>
        %mul3A_833 = arith.mulf %get3A_812, %mul3A_832 : vector<16xf32>
        %add3A_834 = arith.addf %add3A_831, %mul3A_833 : vector<16xf32>
        %mul3A_835 = vector.broadcast %squeeze3A_147 : f32 to vector<16xf32>
        %mul3A_836 = arith.mulf %get3A_814, %mul3A_835 : vector<16xf32>
        %add3A_837 = arith.addf %add3A_834, %mul3A_836 : vector<16xf32>
        %lt3A_838 = arith.cmpf olt, %add3A_837, %scan3A_791 : vector<16xf32>
        %select_n3A_839 = arith.select %lt3A_838, %add3A_837, %scan3A_791 : vector<16xi1>, vector<16xf32>
        %select_n3A_840 = arith.select %lt3A_838, %scan3A_806, %scan3A_799 : vector<16xi1>, vector<16xi32>
        %mul3A_841 = vector.broadcast %squeeze3A_117 : f32 to vector<16xf32>
        %mul3A_842 = arith.mulf %get3A_810, %mul3A_841 : vector<16xf32>
        %add3A_843 = arith.addf %get3A_816, %mul3A_842 : vector<16xf32>
        %mul3A_844 = vector.broadcast %squeeze3A_133 : f32 to vector<16xf32>
        %mul3A_845 = arith.mulf %get3A_812, %mul3A_844 : vector<16xf32>
        %add3A_846 = arith.addf %add3A_843, %mul3A_845 : vector<16xf32>
        %mul3A_847 = vector.broadcast %squeeze3A_149 : f32 to vector<16xf32>
        %mul3A_848 = arith.mulf %get3A_814, %mul3A_847 : vector<16xf32>
        %add3A_849 = arith.addf %add3A_846, %mul3A_848 : vector<16xf32>
        %lt3A_850 = arith.cmpf olt, %add3A_849, %scan3A_792 : vector<16xf32>
        %select_n3A_851 = arith.select %lt3A_850, %add3A_849, %scan3A_792 : vector<16xi1>, vector<16xf32>
        %select_n3A_852 = arith.select %lt3A_850, %scan3A_806, %scan3A_800 : vector<16xi1>, vector<16xi32>
        %mul3A_853 = vector.broadcast %squeeze3A_119 : f32 to vector<16xf32>
        %mul3A_854 = arith.mulf %get3A_810, %mul3A_853 : vector<16xf32>
        %add3A_855 = arith.addf %get3A_816, %mul3A_854 : vector<16xf32>
        %mul3A_856 = vector.broadcast %squeeze3A_135 : f32 to vector<16xf32>
        %mul3A_857 = arith.mulf %get3A_812, %mul3A_856 : vector<16xf32>
        %add3A_858 = arith.addf %add3A_855, %mul3A_857 : vector<16xf32>
        %mul3A_859 = vector.broadcast %squeeze3A_151 : f32 to vector<16xf32>
        %mul3A_860 = arith.mulf %get3A_814, %mul3A_859 : vector<16xf32>
        %add3A_861 = arith.addf %add3A_858, %mul3A_860 : vector<16xf32>
        %lt3A_862 = arith.cmpf olt, %add3A_861, %scan3A_793 : vector<16xf32>
        %select_n3A_863 = arith.select %lt3A_862, %add3A_861, %scan3A_793 : vector<16xi1>, vector<16xf32>
        %select_n3A_864 = arith.select %lt3A_862, %scan3A_806, %scan3A_801 : vector<16xi1>, vector<16xi32>
        %mul3A_865 = vector.broadcast %squeeze3A_121 : f32 to vector<16xf32>
        %mul3A_866 = arith.mulf %get3A_810, %mul3A_865 : vector<16xf32>
        %add3A_867 = arith.addf %get3A_816, %mul3A_866 : vector<16xf32>
        %mul3A_868 = vector.broadcast %squeeze3A_137 : f32 to vector<16xf32>
        %mul3A_869 = arith.mulf %get3A_812, %mul3A_868 : vector<16xf32>
        %add3A_870 = arith.addf %add3A_867, %mul3A_869 : vector<16xf32>
        %mul3A_871 = vector.broadcast %squeeze3A_153 : f32 to vector<16xf32>
        %mul3A_872 = arith.mulf %get3A_814, %mul3A_871 : vector<16xf32>
        %add3A_873 = arith.addf %add3A_870, %mul3A_872 : vector<16xf32>
        %lt3A_874 = arith.cmpf olt, %add3A_873, %scan3A_794 : vector<16xf32>
        %select_n3A_875 = arith.select %lt3A_874, %add3A_873, %scan3A_794 : vector<16xi1>, vector<16xf32>
        %select_n3A_876 = arith.select %lt3A_874, %scan3A_806, %scan3A_802 : vector<16xi1>, vector<16xi32>
        %mul3A_877 = vector.broadcast %squeeze3A_123 : f32 to vector<16xf32>
        %mul3A_878 = arith.mulf %get3A_810, %mul3A_877 : vector<16xf32>
        %add3A_879 = arith.addf %get3A_816, %mul3A_878 : vector<16xf32>
        %mul3A_880 = vector.broadcast %squeeze3A_139 : f32 to vector<16xf32>
        %mul3A_881 = arith.mulf %get3A_812, %mul3A_880 : vector<16xf32>
        %add3A_882 = arith.addf %add3A_879, %mul3A_881 : vector<16xf32>
        %mul3A_883 = vector.broadcast %squeeze3A_155 : f32 to vector<16xf32>
        %mul3A_884 = arith.mulf %get3A_814, %mul3A_883 : vector<16xf32>
        %add3A_885 = arith.addf %add3A_882, %mul3A_884 : vector<16xf32>
        %lt3A_886 = arith.cmpf olt, %add3A_885, %scan3A_795 : vector<16xf32>
        %select_n3A_887 = arith.select %lt3A_886, %add3A_885, %scan3A_795 : vector<16xi1>, vector<16xf32>
        %select_n3A_888 = arith.select %lt3A_886, %scan3A_806, %scan3A_803 : vector<16xi1>, vector<16xi32>
        %mul3A_889 = vector.broadcast %squeeze3A_125 : f32 to vector<16xf32>
        %mul3A_890 = arith.mulf %get3A_810, %mul3A_889 : vector<16xf32>
        %add3A_891 = arith.addf %get3A_816, %mul3A_890 : vector<16xf32>
        %mul3A_892 = vector.broadcast %squeeze3A_141 : f32 to vector<16xf32>
        %mul3A_893 = arith.mulf %get3A_812, %mul3A_892 : vector<16xf32>
        %add3A_894 = arith.addf %add3A_891, %mul3A_893 : vector<16xf32>
        %mul3A_895 = vector.broadcast %squeeze3A_157 : f32 to vector<16xf32>
        %mul3A_896 = arith.mulf %get3A_814, %mul3A_895 : vector<16xf32>
        %add3A_897 = arith.addf %add3A_894, %mul3A_896 : vector<16xf32>
        %lt3A_898 = arith.cmpf olt, %add3A_897, %scan3A_796 : vector<16xf32>
        %select_n3A_899 = arith.select %lt3A_898, %add3A_897, %scan3A_796 : vector<16xi1>, vector<16xf32>
        %select_n3A_900 = arith.select %lt3A_898, %scan3A_806, %scan3A_804 : vector<16xi1>, vector<16xi32>
        %mul3A_901 = vector.broadcast %squeeze3A_127 : f32 to vector<16xf32>
        %mul3A_902 = arith.mulf %get3A_810, %mul3A_901 : vector<16xf32>
        %add3A_903 = arith.addf %get3A_816, %mul3A_902 : vector<16xf32>
        %mul3A_904 = vector.broadcast %squeeze3A_143 : f32 to vector<16xf32>
        %mul3A_905 = arith.mulf %get3A_812, %mul3A_904 : vector<16xf32>
        %add3A_906 = arith.addf %add3A_903, %mul3A_905 : vector<16xf32>
        %mul3A_907 = vector.broadcast %squeeze3A_159 : f32 to vector<16xf32>
        %mul3A_908 = arith.mulf %get3A_814, %mul3A_907 : vector<16xf32>
        %add3A_909 = arith.addf %add3A_906, %mul3A_908 : vector<16xf32>
        %lt3A_910 = arith.cmpf olt, %add3A_909, %scan3A_797 : vector<16xf32>
        %select_n3A_911 = arith.select %lt3A_910, %add3A_909, %scan3A_797 : vector<16xi1>, vector<16xf32>
        %select_n3A_912 = arith.select %lt3A_910, %scan3A_806, %scan3A_805 : vector<16xi1>, vector<16xi32>
        %add3A_913 = arith.constant 16 : i32
        %add3A_914 = vector.broadcast %add3A_913 : i32 to vector<16xi32>
        %add3A_915 = arith.addi %scan3A_806, %add3A_914 : vector<16xi32>
        %scan3A_916 = arith.constant 1 : i32
        %scan3A_917 = arith.addi %scan3A_789, %scan3A_916 : i32
        %mul3A_918 = arith.constant 16 : i32
        %mul3A_919 = arith.muli %scan3A_917, %mul3A_918 : i32
        %get3A_920 = arith.index_cast %mul3A_919 : i32 to index
        %get3A_921 = tpu.vector_load %arg9[%get3A_920] {strides = array<i32>} : memref<8192xf32, #tpu.memory_space<vmem>>, vector<16xf32>,
        %get3A_922 = arith.index_cast %mul3A_919 : i32 to index
        %get3A_923 = tpu.vector_load %arg10[%get3A_922] {strides = array<i32>} : memref<8192xf32, #tpu.memory_space<vmem>>, vector<16xf32>,
        %get3A_924 = arith.index_cast %mul3A_919 : i32 to index
        %get3A_925 = tpu.vector_load %arg11[%get3A_924] {strides = array<i32>} : memref<8192xf32, #tpu.memory_space<vmem>>, vector<16xf32>,
        %get3A_926 = arith.index_cast %mul3A_919 : i32 to index
        %get3A_927 = tpu.vector_load %arg12[%get3A_926] {strides = array<i32>} : memref<8192xf32, #tpu.memory_space<vmem>>, vector<16xf32>,
        %mul3A_928 = vector.broadcast %squeeze3A : f32 to vector<16xf32>
        %mul3A_929 = arith.mulf %get3A_921, %mul3A_928 : vector<16xf32>
        %add3A_930 = arith.addf %get3A_927, %mul3A_929 : vector<16xf32>
        %mul3A_931 = vector.broadcast %squeeze3A_129 : f32 to vector<16xf32>
        %mul3A_932 = arith.mulf %get3A_923, %mul3A_931 : vector<16xf32>
        %add3A_933 = arith.addf %add3A_930, %mul3A_932 : vector<16xf32>
        %mul3A_934 = vector.broadcast %squeeze3A_145 : f32 to vector<16xf32>
        %mul3A_935 = arith.mulf %get3A_925, %mul3A_934 : vector<16xf32>
        %add3A_936 = arith.addf %add3A_933, %mul3A_935 : vector<16xf32>
        %lt3A_937 = arith.cmpf olt, %add3A_936, %select_n3A_827 : vector<16xf32>
        %select_n3A_938 = arith.select %lt3A_937, %add3A_936, %select_n3A_827 : vector<16xi1>, vector<16xf32>
        %select_n3A_939 = arith.select %lt3A_937, %add3A_915, %select_n3A_828 : vector<16xi1>, vector<16xi32>
        %mul3A_940 = vector.broadcast %squeeze3A_115 : f32 to vector<16xf32>
        %mul3A_941 = arith.mulf %get3A_921, %mul3A_940 : vector<16xf32>
        %add3A_942 = arith.addf %get3A_927, %mul3A_941 : vector<16xf32>
        %mul3A_943 = vector.broadcast %squeeze3A_131 : f32 to vector<16xf32>
        %mul3A_944 = arith.mulf %get3A_923, %mul3A_943 : vector<16xf32>
        %add3A_945 = arith.addf %add3A_942, %mul3A_944 : vector<16xf32>
        %mul3A_946 = vector.broadcast %squeeze3A_147 : f32 to vector<16xf32>
        %mul3A_947 = arith.mulf %get3A_925, %mul3A_946 : vector<16xf32>
        %add3A_948 = arith.addf %add3A_945, %mul3A_947 : vector<16xf32>
        %lt3A_949 = arith.cmpf olt, %add3A_948, %select_n3A_839 : vector<16xf32>
        %select_n3A_950 = arith.select %lt3A_949, %add3A_948, %select_n3A_839 : vector<16xi1>, vector<16xf32>
        %select_n3A_951 = arith.select %lt3A_949, %add3A_915, %select_n3A_840 : vector<16xi1>, vector<16xi32>
        %mul3A_952 = vector.broadcast %squeeze3A_117 : f32 to vector<16xf32>
        %mul3A_953 = arith.mulf %get3A_921, %mul3A_952 : vector<16xf32>
        %add3A_954 = arith.addf %get3A_927, %mul3A_953 : vector<16xf32>
        %mul3A_955 = vector.broadcast %squeeze3A_133 : f32 to vector<16xf32>
        %mul3A_956 = arith.mulf %get3A_923, %mul3A_955 : vector<16xf32>
        %add3A_957 = arith.addf %add3A_954, %mul3A_956 : vector<16xf32>
        %mul3A_958 = vector.broadcast %squeeze3A_149 : f32 to vector<16xf32>
        %mul3A_959 = arith.mulf %get3A_925, %mul3A_958 : vector<16xf32>
        %add3A_960 = arith.addf %add3A_957, %mul3A_959 : vector<16xf32>
        %lt3A_961 = arith.cmpf olt, %add3A_960, %select_n3A_851 : vector<16xf32>
        %select_n3A_962 = arith.select %lt3A_961, %add3A_960, %select_n3A_851 : vector<16xi1>, vector<16xf32>
        %select_n3A_963 = arith.select %lt3A_961, %add3A_915, %select_n3A_852 : vector<16xi1>, vector<16xi32>
        %mul3A_964 = vector.broadcast %squeeze3A_119 : f32 to vector<16xf32>
        %mul3A_965 = arith.mulf %get3A_921, %mul3A_964 : vector<16xf32>
        %add3A_966 = arith.addf %get3A_927, %mul3A_965 : vector<16xf32>
        %mul3A_967 = vector.broadcast %squeeze3A_135 : f32 to vector<16xf32>
        %mul3A_968 = arith.mulf %get3A_923, %mul3A_967 : vector<16xf32>
        %add3A_969 = arith.addf %add3A_966, %mul3A_968 : vector<16xf32>
        %mul3A_970 = vector.broadcast %squeeze3A_151 : f32 to vector<16xf32>
        %mul3A_971 = arith.mulf %get3A_925, %mul3A_970 : vector<16xf32>
        %add3A_972 = arith.addf %add3A_969, %mul3A_971 : vector<16xf32>
        %lt3A_973 = arith.cmpf olt, %add3A_972, %select_n3A_863 : vector<16xf32>
        %select_n3A_974 = arith.select %lt3A_973, %add3A_972, %select_n3A_863 : vector<16xi1>, vector<16xf32>
        %select_n3A_975 = arith.select %lt3A_973, %add3A_915, %select_n3A_864 : vector<16xi1>, vector<16xi32>
        %mul3A_976 = vector.broadcast %squeeze3A_121 : f32 to vector<16xf32>
        %mul3A_977 = arith.mulf %get3A_921, %mul3A_976 : vector<16xf32>
        %add3A_978 = arith.addf %get3A_927, %mul3A_977 : vector<16xf32>
        %mul3A_979 = vector.broadcast %squeeze3A_137 : f32 to vector<16xf32>
        %mul3A_980 = arith.mulf %get3A_923, %mul3A_979 : vector<16xf32>
        %add3A_981 = arith.addf %add3A_978, %mul3A_980 : vector<16xf32>
        %mul3A_982 = vector.broadcast %squeeze3A_153 : f32 to vector<16xf32>
        %mul3A_983 = arith.mulf %get3A_925, %mul3A_982 : vector<16xf32>
        %add3A_984 = arith.addf %add3A_981, %mul3A_983 : vector<16xf32>
        %lt3A_985 = arith.cmpf olt, %add3A_984, %select_n3A_875 : vector<16xf32>
        %select_n3A_986 = arith.select %lt3A_985, %add3A_984, %select_n3A_875 : vector<16xi1>, vector<16xf32>
        %select_n3A_987 = arith.select %lt3A_985, %add3A_915, %select_n3A_876 : vector<16xi1>, vector<16xi32>
        %mul3A_988 = vector.broadcast %squeeze3A_123 : f32 to vector<16xf32>
        %mul3A_989 = arith.mulf %get3A_921, %mul3A_988 : vector<16xf32>
        %add3A_990 = arith.addf %get3A_927, %mul3A_989 : vector<16xf32>
        %mul3A_991 = vector.broadcast %squeeze3A_139 : f32 to vector<16xf32>
        %mul3A_992 = arith.mulf %get3A_923, %mul3A_991 : vector<16xf32>
        %add3A_993 = arith.addf %add3A_990, %mul3A_992 : vector<16xf32>
        %mul3A_994 = vector.broadcast %squeeze3A_155 : f32 to vector<16xf32>
        %mul3A_995 = arith.mulf %get3A_925, %mul3A_994 : vector<16xf32>
        %add3A_996 = arith.addf %add3A_993, %mul3A_995 : vector<16xf32>
        %lt3A_997 = arith.cmpf olt, %add3A_996, %select_n3A_887 : vector<16xf32>
        %select_n3A_998 = arith.select %lt3A_997, %add3A_996, %select_n3A_887 : vector<16xi1>, vector<16xf32>
        %select_n3A_999 = arith.select %lt3A_997, %add3A_915, %select_n3A_888 : vector<16xi1>, vector<16xi32>
        %mul3A_1000 = vector.broadcast %squeeze3A_125 : f32 to vector<16xf32>
        %mul3A_1001 = arith.mulf %get3A_921, %mul3A_1000 : vector<16xf32>
        %add3A_1002 = arith.addf %get3A_927, %mul3A_1001 : vector<16xf32>
        %mul3A_1003 = vector.broadcast %squeeze3A_141 : f32 to vector<16xf32>
        %mul3A_1004 = arith.mulf %get3A_923, %mul3A_1003 : vector<16xf32>
        %add3A_1005 = arith.addf %add3A_1002, %mul3A_1004 : vector<16xf32>
        %mul3A_1006 = vector.broadcast %squeeze3A_157 : f32 to vector<16xf32>
        %mul3A_1007 = arith.mulf %get3A_925, %mul3A_1006 : vector<16xf32>
        %add3A_1008 = arith.addf %add3A_1005, %mul3A_1007 : vector<16xf32>
        %lt3A_1009 = arith.cmpf olt, %add3A_1008, %select_n3A_899 : vector<16xf32>
        %select_n3A_1010 = arith.select %lt3A_1009, %add3A_1008, %select_n3A_899 : vector<16xi1>, vector<16xf32>
        %select_n3A_1011 = arith.select %lt3A_1009, %add3A_915, %select_n3A_900 : vector<16xi1>, vector<16xi32>
        %mul3A_1012 = vector.broadcast %squeeze3A_127 : f32 to vector<16xf32>
        %mul3A_1013 = arith.mulf %get3A_921, %mul3A_1012 : vector<16xf32>
        %add3A_1014 = arith.addf %get3A_927, %mul3A_1013 : vector<16xf32>
        %mul3A_1015 = vector.broadcast %squeeze3A_143 : f32 to vector<16xf32>
        %mul3A_1016 = arith.mulf %get3A_923, %mul3A_1015 : vector<16xf32>
        %add3A_1017 = arith.addf %add3A_1014, %mul3A_1016 : vector<16xf32>
        %mul3A_1018 = vector.broadcast %squeeze3A_159 : f32 to vector<16xf32>
        %mul3A_1019 = arith.mulf %get3A_925, %mul3A_1018 : vector<16xf32>
        %add3A_1020 = arith.addf %add3A_1017, %mul3A_1019 : vector<16xf32>
        %lt3A_1021 = arith.cmpf olt, %add3A_1020, %select_n3A_911 : vector<16xf32>
        %select_n3A_1022 = arith.select %lt3A_1021, %add3A_1020, %select_n3A_911 : vector<16xi1>, vector<16xf32>
        %select_n3A_1023 = arith.select %lt3A_1021, %add3A_915, %select_n3A_912 : vector<16xi1>, vector<16xi32>
        %add3A_1024 = arith.constant 16 : i32
        %add3A_1025 = vector.broadcast %add3A_1024 : i32 to vector<16xi32>
        %add3A_1026 = arith.addi %add3A_915, %add3A_1025 : vector<16xi32>
        scf.yield %select_n3A_938, %select_n3A_950, %select_n3A_962, %select_n3A_974, %select_n3A_986, %select_n3A_998, %select_n3A_1010, %select_n3A_1022, %select_n3A_939, %select_n3A_951, %select_n3A_963, %select_n3A_975, %select_n3A_987, %select_n3A_999, %select_n3A_1011, %select_n3A_1023, %add3A_1026 : vector<16xf32>, vector<16xf32>, vector<16xf32>, vector<16xf32>, vector<16xf32>, vector<16xf32>, vector<16xf32>, vector<16xf32>, vector<16xi32>, vector<16xi32>, vector<16xi32>, vector<16xi32>, vector<16xi32>, vector<16xi32>, vector<16xi32>, vector<16xi32>, vector<16xi32>
      }
      %scan3A_165 = arith.constant 512 : i32
      %neg3A = arith.constant 0.000000e+00 : f32
      %neg3A_166 = vector.broadcast %neg3A : f32 to vector<16xf32>
      %neg3A_167 = arith.subf %neg3A_166, %scan3A_164#0 : vector<16xf32>
      %broadcast_in_dim3A_168 = arith.constant true
      %broadcast_in_dim3A_169 = vector.broadcast %broadcast_in_dim3A_168 : i1 to vector<16xi1>
      %masked_cummax3A = tpu.scan <max>, %neg3A_167 masked %broadcast_in_dim3A_169 : vector<16xf32>, vector<16xi1> -> vector<16xf32>
      %neg3A_170 = arith.constant 0.000000e+00 : f32
      %neg3A_171 = vector.broadcast %neg3A_170 : f32 to vector<16xf32>
      %neg3A_172 = arith.subf %neg3A_171, %masked_cummax3A : vector<16xf32>
      %slice3A_173 = vector.extract_strided_slice %neg3A_172 {offsets = [15], sizes = [1], strides = [1]} : vector<16xf32> to vector<1xf32>
      %squeeze3A_174 = vector.extract %slice3A_173[0] : f32 from vector<1xf32>
      %eq3A_175 = vector.broadcast %squeeze3A_174 : f32 to vector<16xf32>
      %eq3A_176 = arith.cmpf oeq, %scan3A_164#0, %eq3A_175 : vector<16xf32>
      %broadcast_in_dim3A_177 = vector.broadcast %scan3A_45 : i32 to vector<16xi32>
      %select_n3A_178 = arith.select %eq3A_176, %scan3A_164#8, %broadcast_in_dim3A_177 : vector<16xi1>, vector<16xi32>
      %neg3A_179 = arith.constant 0 : i32
      %neg3A_180 = vector.broadcast %neg3A_179 : i32 to vector<16xi32>
      %neg3A_181 = arith.subi %neg3A_180, %select_n3A_178 : vector<16xi32>
      %broadcast_in_dim3A_182 = arith.constant true
      %broadcast_in_dim3A_183 = vector.broadcast %broadcast_in_dim3A_182 : i1 to vector<16xi1>
      %masked_cummax3A_184 = arith.constant -2147483648 : i32
      %masked_cummax3A_185 = vector.broadcast %masked_cummax3A_184 : i32 to vector<16xi32>
      %masked_cummax3A_186 = arith.xori %neg3A_181, %masked_cummax3A_185 : vector<16xi32>
      %masked_cummax3A_187 = tpu.scan <max>, %masked_cummax3A_186 masked %broadcast_in_dim3A_183 : vector<16xi32>, vector<16xi1> -> vector<16xi32>
      %masked_cummax3A_188 = arith.xori %masked_cummax3A_187, %masked_cummax3A_185 : vector<16xi32>
      %neg3A_189 = arith.constant 0 : i32
      %neg3A_190 = vector.broadcast %neg3A_189 : i32 to vector<16xi32>
      %neg3A_191 = arith.subi %neg3A_190, %masked_cummax3A_188 : vector<16xi32>
      %eq3A_192 = arith.constant 0 : i32
      %eq3A_193 = vector.broadcast %eq3A_192 : i32 to vector<16xi32>
      %eq3A_194 = arith.cmpi eq, %iota3A, %eq3A_193 : vector<16xi32>
      %slice3A_195 = vector.extract_strided_slice %neg3A_191 {offsets = [15], sizes = [1], strides = [1]} : vector<16xi32> to vector<1xi32>
      %squeeze3A_196 = vector.extract %slice3A_195[0] : i32 from vector<1xi32>
      %broadcast_in_dim3A_197 = vector.broadcast %squeeze3A_196 : i32 to vector<16xi32>
      %select_n3A_198 = arith.select %eq3A_194, %broadcast_in_dim3A_197, %broadcast_in_dim3A_42 : vector<16xi1>, vector<16xi32>
      %neg3A_199 = arith.constant 0.000000e+00 : f32
      %neg3A_200 = vector.broadcast %neg3A_199 : f32 to vector<16xf32>
      %neg3A_201 = arith.subf %neg3A_200, %scan3A_164#1 : vector<16xf32>
      %broadcast_in_dim3A_202 = arith.constant true
      %broadcast_in_dim3A_203 = vector.broadcast %broadcast_in_dim3A_202 : i1 to vector<16xi1>
      %masked_cummax3A_204 = tpu.scan <max>, %neg3A_201 masked %broadcast_in_dim3A_203 : vector<16xf32>, vector<16xi1> -> vector<16xf32>
      %neg3A_205 = arith.constant 0.000000e+00 : f32
      %neg3A_206 = vector.broadcast %neg3A_205 : f32 to vector<16xf32>
      %neg3A_207 = arith.subf %neg3A_206, %masked_cummax3A_204 : vector<16xf32>
      %slice3A_208 = vector.extract_strided_slice %neg3A_207 {offsets = [15], sizes = [1], strides = [1]} : vector<16xf32> to vector<1xf32>
      %squeeze3A_209 = vector.extract %slice3A_208[0] : f32 from vector<1xf32>
      %eq3A_210 = vector.broadcast %squeeze3A_209 : f32 to vector<16xf32>
      %eq3A_211 = arith.cmpf oeq, %scan3A_164#1, %eq3A_210 : vector<16xf32>
      %broadcast_in_dim3A_212 = vector.broadcast %scan3A_45 : i32 to vector<16xi32>
      %select_n3A_213 = arith.select %eq3A_211, %scan3A_164#9, %broadcast_in_dim3A_212 : vector<16xi1>, vector<16xi32>
      %neg3A_214 = arith.constant 0 : i32
      %neg3A_215 = vector.broadcast %neg3A_214 : i32 to vector<16xi32>
      %neg3A_216 = arith.subi %neg3A_215, %select_n3A_213 : vector<16xi32>
      %broadcast_in_dim3A_217 = arith.constant true
      %broadcast_in_dim3A_218 = vector.broadcast %broadcast_in_dim3A_217 : i1 to vector<16xi1>
      %masked_cummax3A_219 = arith.constant -2147483648 : i32
      %masked_cummax3A_220 = vector.broadcast %masked_cummax3A_219 : i32 to vector<16xi32>
      %masked_cummax3A_221 = arith.xori %neg3A_216, %masked_cummax3A_220 : vector<16xi32>
      %masked_cummax3A_222 = tpu.scan <max>, %masked_cummax3A_221 masked %broadcast_in_dim3A_218 : vector<16xi32>, vector<16xi1> -> vector<16xi32>
      %masked_cummax3A_223 = arith.xori %masked_cummax3A_222, %masked_cummax3A_220 : vector<16xi32>
      %neg3A_224 = arith.constant 0 : i32
      %neg3A_225 = vector.broadcast %neg3A_224 : i32 to vector<16xi32>
      %neg3A_226 = arith.subi %neg3A_225, %masked_cummax3A_223 : vector<16xi32>
      %eq3A_227 = arith.constant 1 : i32
      %eq3A_228 = vector.broadcast %eq3A_227 : i32 to vector<16xi32>
      %eq3A_229 = arith.cmpi eq, %iota3A, %eq3A_228 : vector<16xi32>
      %slice3A_230 = vector.extract_strided_slice %neg3A_226 {offsets = [15], sizes = [1], strides = [1]} : vector<16xi32> to vector<1xi32>
      %squeeze3A_231 = vector.extract %slice3A_230[0] : i32 from vector<1xi32>
      %broadcast_in_dim3A_232 = vector.broadcast %squeeze3A_231 : i32 to vector<16xi32>
      %select_n3A_233 = arith.select %eq3A_229, %broadcast_in_dim3A_232, %select_n3A_198 : vector<16xi1>, vector<16xi32>
      %neg3A_234 = arith.constant 0.000000e+00 : f32
      %neg3A_235 = vector.broadcast %neg3A_234 : f32 to vector<16xf32>
      %neg3A_236 = arith.subf %neg3A_235, %scan3A_164#2 : vector<16xf32>
      %broadcast_in_dim3A_237 = arith.constant true
      %broadcast_in_dim3A_238 = vector.broadcast %broadcast_in_dim3A_237 : i1 to vector<16xi1>
      %masked_cummax3A_239 = tpu.scan <max>, %neg3A_236 masked %broadcast_in_dim3A_238 : vector<16xf32>, vector<16xi1> -> vector<16xf32>
      %neg3A_240 = arith.constant 0.000000e+00 : f32
      %neg3A_241 = vector.broadcast %neg3A_240 : f32 to vector<16xf32>
      %neg3A_242 = arith.subf %neg3A_241, %masked_cummax3A_239 : vector<16xf32>
      %slice3A_243 = vector.extract_strided_slice %neg3A_242 {offsets = [15], sizes = [1], strides = [1]} : vector<16xf32> to vector<1xf32>
      %squeeze3A_244 = vector.extract %slice3A_243[0] : f32 from vector<1xf32>
      %eq3A_245 = vector.broadcast %squeeze3A_244 : f32 to vector<16xf32>
      %eq3A_246 = arith.cmpf oeq, %scan3A_164#2, %eq3A_245 : vector<16xf32>
      %broadcast_in_dim3A_247 = vector.broadcast %scan3A_45 : i32 to vector<16xi32>
      %select_n3A_248 = arith.select %eq3A_246, %scan3A_164#10, %broadcast_in_dim3A_247 : vector<16xi1>, vector<16xi32>
      %neg3A_249 = arith.constant 0 : i32
      %neg3A_250 = vector.broadcast %neg3A_249 : i32 to vector<16xi32>
      %neg3A_251 = arith.subi %neg3A_250, %select_n3A_248 : vector<16xi32>
      %broadcast_in_dim3A_252 = arith.constant true
      %broadcast_in_dim3A_253 = vector.broadcast %broadcast_in_dim3A_252 : i1 to vector<16xi1>
      %masked_cummax3A_254 = arith.constant -2147483648 : i32
      %masked_cummax3A_255 = vector.broadcast %masked_cummax3A_254 : i32 to vector<16xi32>
      %masked_cummax3A_256 = arith.xori %neg3A_251, %masked_cummax3A_255 : vector<16xi32>
      %masked_cummax3A_257 = tpu.scan <max>, %masked_cummax3A_256 masked %broadcast_in_dim3A_253 : vector<16xi32>, vector<16xi1> -> vector<16xi32>
      %masked_cummax3A_258 = arith.xori %masked_cummax3A_257, %masked_cummax3A_255 : vector<16xi32>
      %neg3A_259 = arith.constant 0 : i32
      %neg3A_260 = vector.broadcast %neg3A_259 : i32 to vector<16xi32>
      %neg3A_261 = arith.subi %neg3A_260, %masked_cummax3A_258 : vector<16xi32>
      %eq3A_262 = arith.constant 2 : i32
      %eq3A_263 = vector.broadcast %eq3A_262 : i32 to vector<16xi32>
      %eq3A_264 = arith.cmpi eq, %iota3A, %eq3A_263 : vector<16xi32>
      %slice3A_265 = vector.extract_strided_slice %neg3A_261 {offsets = [15], sizes = [1], strides = [1]} : vector<16xi32> to vector<1xi32>
      %squeeze3A_266 = vector.extract %slice3A_265[0] : i32 from vector<1xi32>
      %broadcast_in_dim3A_267 = vector.broadcast %squeeze3A_266 : i32 to vector<16xi32>
      %select_n3A_268 = arith.select %eq3A_264, %broadcast_in_dim3A_267, %select_n3A_233 : vector<16xi1>, vector<16xi32>
      %neg3A_269 = arith.constant 0.000000e+00 : f32
      %neg3A_270 = vector.broadcast %neg3A_269 : f32 to vector<16xf32>
      %neg3A_271 = arith.subf %neg3A_270, %scan3A_164#3 : vector<16xf32>
      %broadcast_in_dim3A_272 = arith.constant true
      %broadcast_in_dim3A_273 = vector.broadcast %broadcast_in_dim3A_272 : i1 to vector<16xi1>
      %masked_cummax3A_274 = tpu.scan <max>, %neg3A_271 masked %broadcast_in_dim3A_273 : vector<16xf32>, vector<16xi1> -> vector<16xf32>
      %neg3A_275 = arith.constant 0.000000e+00 : f32
      %neg3A_276 = vector.broadcast %neg3A_275 : f32 to vector<16xf32>
      %neg3A_277 = arith.subf %neg3A_276, %masked_cummax3A_274 : vector<16xf32>
      %slice3A_278 = vector.extract_strided_slice %neg3A_277 {offsets = [15], sizes = [1], strides = [1]} : vector<16xf32> to vector<1xf32>
      %squeeze3A_279 = vector.extract %slice3A_278[0] : f32 from vector<1xf32>
      %eq3A_280 = vector.broadcast %squeeze3A_279 : f32 to vector<16xf32>
      %eq3A_281 = arith.cmpf oeq, %scan3A_164#3, %eq3A_280 : vector<16xf32>
      %broadcast_in_dim3A_282 = vector.broadcast %scan3A_45 : i32 to vector<16xi32>
      %select_n3A_283 = arith.select %eq3A_281, %scan3A_164#11, %broadcast_in_dim3A_282 : vector<16xi1>, vector<16xi32>
      %neg3A_284 = arith.constant 0 : i32
      %neg3A_285 = vector.broadcast %neg3A_284 : i32 to vector<16xi32>
      %neg3A_286 = arith.subi %neg3A_285, %select_n3A_283 : vector<16xi32>
      %broadcast_in_dim3A_287 = arith.constant true
      %broadcast_in_dim3A_288 = vector.broadcast %broadcast_in_dim3A_287 : i1 to vector<16xi1>
      %masked_cummax3A_289 = arith.constant -2147483648 : i32
      %masked_cummax3A_290 = vector.broadcast %masked_cummax3A_289 : i32 to vector<16xi32>
      %masked_cummax3A_291 = arith.xori %neg3A_286, %masked_cummax3A_290 : vector<16xi32>
      %masked_cummax3A_292 = tpu.scan <max>, %masked_cummax3A_291 masked %broadcast_in_dim3A_288 : vector<16xi32>, vector<16xi1> -> vector<16xi32>
      %masked_cummax3A_293 = arith.xori %masked_cummax3A_292, %masked_cummax3A_290 : vector<16xi32>
      %neg3A_294 = arith.constant 0 : i32
      %neg3A_295 = vector.broadcast %neg3A_294 : i32 to vector<16xi32>
      %neg3A_296 = arith.subi %neg3A_295, %masked_cummax3A_293 : vector<16xi32>
      %eq3A_297 = arith.constant 3 : i32
      %eq3A_298 = vector.broadcast %eq3A_297 : i32 to vector<16xi32>
      %eq3A_299 = arith.cmpi eq, %iota3A, %eq3A_298 : vector<16xi32>
      %slice3A_300 = vector.extract_strided_slice %neg3A_296 {offsets = [15], sizes = [1], strides = [1]} : vector<16xi32> to vector<1xi32>
      %squeeze3A_301 = vector.extract %slice3A_300[0] : i32 from vector<1xi32>
      %broadcast_in_dim3A_302 = vector.broadcast %squeeze3A_301 : i32 to vector<16xi32>
      %select_n3A_303 = arith.select %eq3A_299, %broadcast_in_dim3A_302, %select_n3A_268 : vector<16xi1>, vector<16xi32>
      %neg3A_304 = arith.constant 0.000000e+00 : f32
      %neg3A_305 = vector.broadcast %neg3A_304 : f32 to vector<16xf32>
      %neg3A_306 = arith.subf %neg3A_305, %scan3A_164#4 : vector<16xf32>
      %broadcast_in_dim3A_307 = arith.constant true
      %broadcast_in_dim3A_308 = vector.broadcast %broadcast_in_dim3A_307 : i1 to vector<16xi1>
      %masked_cummax3A_309 = tpu.scan <max>, %neg3A_306 masked %broadcast_in_dim3A_308 : vector<16xf32>, vector<16xi1> -> vector<16xf32>
      %neg3A_310 = arith.constant 0.000000e+00 : f32
      %neg3A_311 = vector.broadcast %neg3A_310 : f32 to vector<16xf32>
      %neg3A_312 = arith.subf %neg3A_311, %masked_cummax3A_309 : vector<16xf32>
      %slice3A_313 = vector.extract_strided_slice %neg3A_312 {offsets = [15], sizes = [1], strides = [1]} : vector<16xf32> to vector<1xf32>
      %squeeze3A_314 = vector.extract %slice3A_313[0] : f32 from vector<1xf32>
      %eq3A_315 = vector.broadcast %squeeze3A_314 : f32 to vector<16xf32>
      %eq3A_316 = arith.cmpf oeq, %scan3A_164#4, %eq3A_315 : vector<16xf32>
      %broadcast_in_dim3A_317 = vector.broadcast %scan3A_45 : i32 to vector<16xi32>
      %select_n3A_318 = arith.select %eq3A_316, %scan3A_164#12, %broadcast_in_dim3A_317 : vector<16xi1>, vector<16xi32>
      %neg3A_319 = arith.constant 0 : i32
      %neg3A_320 = vector.broadcast %neg3A_319 : i32 to vector<16xi32>
      %neg3A_321 = arith.subi %neg3A_320, %select_n3A_318 : vector<16xi32>
      %broadcast_in_dim3A_322 = arith.constant true
      %broadcast_in_dim3A_323 = vector.broadcast %broadcast_in_dim3A_322 : i1 to vector<16xi1>
      %masked_cummax3A_324 = arith.constant -2147483648 : i32
      %masked_cummax3A_325 = vector.broadcast %masked_cummax3A_324 : i32 to vector<16xi32>
      %masked_cummax3A_326 = arith.xori %neg3A_321, %masked_cummax3A_325 : vector<16xi32>
      %masked_cummax3A_327 = tpu.scan <max>, %masked_cummax3A_326 masked %broadcast_in_dim3A_323 : vector<16xi32>, vector<16xi1> -> vector<16xi32>
      %masked_cummax3A_328 = arith.xori %masked_cummax3A_327, %masked_cummax3A_325 : vector<16xi32>
      %neg3A_329 = arith.constant 0 : i32
      %neg3A_330 = vector.broadcast %neg3A_329 : i32 to vector<16xi32>
      %neg3A_331 = arith.subi %neg3A_330, %masked_cummax3A_328 : vector<16xi32>
      %eq3A_332 = arith.constant 4 : i32
      %eq3A_333 = vector.broadcast %eq3A_332 : i32 to vector<16xi32>
      %eq3A_334 = arith.cmpi eq, %iota3A, %eq3A_333 : vector<16xi32>
      %slice3A_335 = vector.extract_strided_slice %neg3A_331 {offsets = [15], sizes = [1], strides = [1]} : vector<16xi32> to vector<1xi32>
      %squeeze3A_336 = vector.extract %slice3A_335[0] : i32 from vector<1xi32>
      %broadcast_in_dim3A_337 = vector.broadcast %squeeze3A_336 : i32 to vector<16xi32>
      %select_n3A_338 = arith.select %eq3A_334, %broadcast_in_dim3A_337, %select_n3A_303 : vector<16xi1>, vector<16xi32>
      %neg3A_339 = arith.constant 0.000000e+00 : f32
      %neg3A_340 = vector.broadcast %neg3A_339 : f32 to vector<16xf32>
      %neg3A_341 = arith.subf %neg3A_340, %scan3A_164#5 : vector<16xf32>
      %broadcast_in_dim3A_342 = arith.constant true
      %broadcast_in_dim3A_343 = vector.broadcast %broadcast_in_dim3A_342 : i1 to vector<16xi1>
      %masked_cummax3A_344 = tpu.scan <max>, %neg3A_341 masked %broadcast_in_dim3A_343 : vector<16xf32>, vector<16xi1> -> vector<16xf32>
      %neg3A_345 = arith.constant 0.000000e+00 : f32
      %neg3A_346 = vector.broadcast %neg3A_345 : f32 to vector<16xf32>
      %neg3A_347 = arith.subf %neg3A_346, %masked_cummax3A_344 : vector<16xf32>
      %slice3A_348 = vector.extract_strided_slice %neg3A_347 {offsets = [15], sizes = [1], strides = [1]} : vector<16xf32> to vector<1xf32>
      %squeeze3A_349 = vector.extract %slice3A_348[0] : f32 from vector<1xf32>
      %eq3A_350 = vector.broadcast %squeeze3A_349 : f32 to vector<16xf32>
      %eq3A_351 = arith.cmpf oeq, %scan3A_164#5, %eq3A_350 : vector<16xf32>
      %broadcast_in_dim3A_352 = vector.broadcast %scan3A_45 : i32 to vector<16xi32>
      %select_n3A_353 = arith.select %eq3A_351, %scan3A_164#13, %broadcast_in_dim3A_352 : vector<16xi1>, vector<16xi32>
      %neg3A_354 = arith.constant 0 : i32
      %neg3A_355 = vector.broadcast %neg3A_354 : i32 to vector<16xi32>
      %neg3A_356 = arith.subi %neg3A_355, %select_n3A_353 : vector<16xi32>
      %broadcast_in_dim3A_357 = arith.constant true
      %broadcast_in_dim3A_358 = vector.broadcast %broadcast_in_dim3A_357 : i1 to vector<16xi1>
      %masked_cummax3A_359 = arith.constant -2147483648 : i32
      %masked_cummax3A_360 = vector.broadcast %masked_cummax3A_359 : i32 to vector<16xi32>
      %masked_cummax3A_361 = arith.xori %neg3A_356, %masked_cummax3A_360 : vector<16xi32>
      %masked_cummax3A_362 = tpu.scan <max>, %masked_cummax3A_361 masked %broadcast_in_dim3A_358 : vector<16xi32>, vector<16xi1> -> vector<16xi32>
      %masked_cummax3A_363 = arith.xori %masked_cummax3A_362, %masked_cummax3A_360 : vector<16xi32>
      %neg3A_364 = arith.constant 0 : i32
      %neg3A_365 = vector.broadcast %neg3A_364 : i32 to vector<16xi32>
      %neg3A_366 = arith.subi %neg3A_365, %masked_cummax3A_363 : vector<16xi32>
      %eq3A_367 = arith.constant 5 : i32
      %eq3A_368 = vector.broadcast %eq3A_367 : i32 to vector<16xi32>
      %eq3A_369 = arith.cmpi eq, %iota3A, %eq3A_368 : vector<16xi32>
      %slice3A_370 = vector.extract_strided_slice %neg3A_366 {offsets = [15], sizes = [1], strides = [1]} : vector<16xi32> to vector<1xi32>
      %squeeze3A_371 = vector.extract %slice3A_370[0] : i32 from vector<1xi32>
      %broadcast_in_dim3A_372 = vector.broadcast %squeeze3A_371 : i32 to vector<16xi32>
      %select_n3A_373 = arith.select %eq3A_369, %broadcast_in_dim3A_372, %select_n3A_338 : vector<16xi1>, vector<16xi32>
      %neg3A_374 = arith.constant 0.000000e+00 : f32
      %neg3A_375 = vector.broadcast %neg3A_374 : f32 to vector<16xf32>
      %neg3A_376 = arith.subf %neg3A_375, %scan3A_164#6 : vector<16xf32>
      %broadcast_in_dim3A_377 = arith.constant true
      %broadcast_in_dim3A_378 = vector.broadcast %broadcast_in_dim3A_377 : i1 to vector<16xi1>
      %masked_cummax3A_379 = tpu.scan <max>, %neg3A_376 masked %broadcast_in_dim3A_378 : vector<16xf32>, vector<16xi1> -> vector<16xf32>
      %neg3A_380 = arith.constant 0.000000e+00 : f32
      %neg3A_381 = vector.broadcast %neg3A_380 : f32 to vector<16xf32>
      %neg3A_382 = arith.subf %neg3A_381, %masked_cummax3A_379 : vector<16xf32>
      %slice3A_383 = vector.extract_strided_slice %neg3A_382 {offsets = [15], sizes = [1], strides = [1]} : vector<16xf32> to vector<1xf32>
      %squeeze3A_384 = vector.extract %slice3A_383[0] : f32 from vector<1xf32>
      %eq3A_385 = vector.broadcast %squeeze3A_384 : f32 to vector<16xf32>
      %eq3A_386 = arith.cmpf oeq, %scan3A_164#6, %eq3A_385 : vector<16xf32>
      %broadcast_in_dim3A_387 = vector.broadcast %scan3A_45 : i32 to vector<16xi32>
      %select_n3A_388 = arith.select %eq3A_386, %scan3A_164#14, %broadcast_in_dim3A_387 : vector<16xi1>, vector<16xi32>
      %neg3A_389 = arith.constant 0 : i32
      %neg3A_390 = vector.broadcast %neg3A_389 : i32 to vector<16xi32>
      %neg3A_391 = arith.subi %neg3A_390, %select_n3A_388 : vector<16xi32>
      %broadcast_in_dim3A_392 = arith.constant true
      %broadcast_in_dim3A_393 = vector.broadcast %broadcast_in_dim3A_392 : i1 to vector<16xi1>
      %masked_cummax3A_394 = arith.constant -2147483648 : i32
      %masked_cummax3A_395 = vector.broadcast %masked_cummax3A_394 : i32 to vector<16xi32>
      %masked_cummax3A_396 = arith.xori %neg3A_391, %masked_cummax3A_395 : vector<16xi32>
      %masked_cummax3A_397 = tpu.scan <max>, %masked_cummax3A_396 masked %broadcast_in_dim3A_393 : vector<16xi32>, vector<16xi1> -> vector<16xi32>
      %masked_cummax3A_398 = arith.xori %masked_cummax3A_397, %masked_cummax3A_395 : vector<16xi32>
      %neg3A_399 = arith.constant 0 : i32
      %neg3A_400 = vector.broadcast %neg3A_399 : i32 to vector<16xi32>
      %neg3A_401 = arith.subi %neg3A_400, %masked_cummax3A_398 : vector<16xi32>
      %eq3A_402 = arith.constant 6 : i32
      %eq3A_403 = vector.broadcast %eq3A_402 : i32 to vector<16xi32>
      %eq3A_404 = arith.cmpi eq, %iota3A, %eq3A_403 : vector<16xi32>
      %slice3A_405 = vector.extract_strided_slice %neg3A_401 {offsets = [15], sizes = [1], strides = [1]} : vector<16xi32> to vector<1xi32>
      %squeeze3A_406 = vector.extract %slice3A_405[0] : i32 from vector<1xi32>
      %broadcast_in_dim3A_407 = vector.broadcast %squeeze3A_406 : i32 to vector<16xi32>
      %select_n3A_408 = arith.select %eq3A_404, %broadcast_in_dim3A_407, %select_n3A_373 : vector<16xi1>, vector<16xi32>
      %neg3A_409 = arith.constant 0.000000e+00 : f32
      %neg3A_410 = vector.broadcast %neg3A_409 : f32 to vector<16xf32>
      %neg3A_411 = arith.subf %neg3A_410, %scan3A_164#7 : vector<16xf32>
      %broadcast_in_dim3A_412 = arith.constant true
      %broadcast_in_dim3A_413 = vector.broadcast %broadcast_in_dim3A_412 : i1 to vector<16xi1>
      %masked_cummax3A_414 = tpu.scan <max>, %neg3A_411 masked %broadcast_in_dim3A_413 : vector<16xf32>, vector<16xi1> -> vector<16xf32>
      %neg3A_415 = arith.constant 0.000000e+00 : f32
      %neg3A_416 = vector.broadcast %neg3A_415 : f32 to vector<16xf32>
      %neg3A_417 = arith.subf %neg3A_416, %masked_cummax3A_414 : vector<16xf32>
      %slice3A_418 = vector.extract_strided_slice %neg3A_417 {offsets = [15], sizes = [1], strides = [1]} : vector<16xf32> to vector<1xf32>
      %squeeze3A_419 = vector.extract %slice3A_418[0] : f32 from vector<1xf32>
      %eq3A_420 = vector.broadcast %squeeze3A_419 : f32 to vector<16xf32>
      %eq3A_421 = arith.cmpf oeq, %scan3A_164#7, %eq3A_420 : vector<16xf32>
      %broadcast_in_dim3A_422 = vector.broadcast %scan3A_45 : i32 to vector<16xi32>
      %select_n3A_423 = arith.select %eq3A_421, %scan3A_164#15, %broadcast_in_dim3A_422 : vector<16xi1>, vector<16xi32>
      %neg3A_424 = arith.constant 0 : i32
      %neg3A_425 = vector.broadcast %neg3A_424 : i32 to vector<16xi32>
      %neg3A_426 = arith.subi %neg3A_425, %select_n3A_423 : vector<16xi32>
      %broadcast_in_dim3A_427 = arith.constant true
      %broadcast_in_dim3A_428 = vector.broadcast %broadcast_in_dim3A_427 : i1 to vector<16xi1>
      %masked_cummax3A_429 = arith.constant -2147483648 : i32
      %masked_cummax3A_430 = vector.broadcast %masked_cummax3A_429 : i32 to vector<16xi32>
      %masked_cummax3A_431 = arith.xori %neg3A_426, %masked_cummax3A_430 : vector<16xi32>
      %masked_cummax3A_432 = tpu.scan <max>, %masked_cummax3A_431 masked %broadcast_in_dim3A_428 : vector<16xi32>, vector<16xi1> -> vector<16xi32>
      %masked_cummax3A_433 = arith.xori %masked_cummax3A_432, %masked_cummax3A_430 : vector<16xi32>
      %neg3A_434 = arith.constant 0 : i32
      %neg3A_435 = vector.broadcast %neg3A_434 : i32 to vector<16xi32>
      %neg3A_436 = arith.subi %neg3A_435, %masked_cummax3A_433 : vector<16xi32>
      %eq3A_437 = arith.constant 7 : i32
      %eq3A_438 = vector.broadcast %eq3A_437 : i32 to vector<16xi32>
      %eq3A_439 = arith.cmpi eq, %iota3A, %eq3A_438 : vector<16xi32>
      %slice3A_440 = vector.extract_strided_slice %neg3A_436 {offsets = [15], sizes = [1], strides = [1]} : vector<16xi32> to vector<1xi32>
      %squeeze3A_441 = vector.extract %slice3A_440[0] : i32 from vector<1xi32>
      %broadcast_in_dim3A_442 = vector.broadcast %squeeze3A_441 : i32 to vector<16xi32>
      %select_n3A_443 = arith.select %eq3A_439, %broadcast_in_dim3A_442, %select_n3A_408 : vector<16xi1>, vector<16xi32>
      %slice3A_444 = vector.extract_strided_slice %mul3A_77 {offsets = [8], sizes = [1], strides = [1]} : vector<16xf32> to vector<1xf32>
      %squeeze3A_445 = vector.extract %slice3A_444[0] : f32 from vector<1xf32>
      %slice3A_446 = vector.extract_strided_slice %mul3A_77 {offsets = [9], sizes = [1], strides = [1]} : vector<16xf32> to vector<1xf32>
      %squeeze3A_447 = vector.extract %slice3A_446[0] : f32 from vector<1xf32>
      %slice3A_448 = vector.extract_strided_slice %mul3A_77 {offsets = [10], sizes = [1], strides = [1]} : vector<16xf32> to vector<1xf32>
      %squeeze3A_449 = vector.extract %slice3A_448[0] : f32 from vector<1xf32>
      %slice3A_450 = vector.extract_strided_slice %mul3A_77 {offsets = [11], sizes = [1], strides = [1]} : vector<16xf32> to vector<1xf32>
      %squeeze3A_451 = vector.extract %slice3A_450[0] : f32 from vector<1xf32>
      %slice3A_452 = vector.extract_strided_slice %mul3A_77 {offsets = [12], sizes = [1], strides = [1]} : vector<16xf32> to vector<1xf32>
      %squeeze3A_453 = vector.extract %slice3A_452[0] : f32 from vector<1xf32>
      %slice3A_454 = vector.extract_strided_slice %mul3A_77 {offsets = [13], sizes = [1], strides = [1]} : vector<16xf32> to vector<1xf32>
      %squeeze3A_455 = vector.extract %slice3A_454[0] : f32 from vector<1xf32>
      %slice3A_456 = vector.extract_strided_slice %mul3A_77 {offsets = [14], sizes = [1], strides = [1]} : vector<16xf32> to vector<1xf32>
      %squeeze3A_457 = vector.extract %slice3A_456[0] : f32 from vector<1xf32>
      %slice3A_458 = vector.extract_strided_slice %mul3A_77 {offsets = [15], sizes = [1], strides = [1]} : vector<16xf32> to vector<1xf32>
      %squeeze3A_459 = vector.extract %slice3A_458[0] : f32 from vector<1xf32>
      %slice3A_460 = vector.extract_strided_slice %mul3A_95 {offsets = [8], sizes = [1], strides = [1]} : vector<16xf32> to vector<1xf32>
      %squeeze3A_461 = vector.extract %slice3A_460[0] : f32 from vector<1xf32>
      %slice3A_462 = vector.extract_strided_slice %mul3A_95 {offsets = [9], sizes = [1], strides = [1]} : vector<16xf32> to vector<1xf32>
      %squeeze3A_463 = vector.extract %slice3A_462[0] : f32 from vector<1xf32>
      %slice3A_464 = vector.extract_strided_slice %mul3A_95 {offsets = [10], sizes = [1], strides = [1]} : vector<16xf32> to vector<1xf32>
      %squeeze3A_465 = vector.extract %slice3A_464[0] : f32 from vector<1xf32>
      %slice3A_466 = vector.extract_strided_slice %mul3A_95 {offsets = [11], sizes = [1], strides = [1]} : vector<16xf32> to vector<1xf32>
      %squeeze3A_467 = vector.extract %slice3A_466[0] : f32 from vector<1xf32>
      %slice3A_468 = vector.extract_strided_slice %mul3A_95 {offsets = [12], sizes = [1], strides = [1]} : vector<16xf32> to vector<1xf32>
      %squeeze3A_469 = vector.extract %slice3A_468[0] : f32 from vector<1xf32>
      %slice3A_470 = vector.extract_strided_slice %mul3A_95 {offsets = [13], sizes = [1], strides = [1]} : vector<16xf32> to vector<1xf32>
      %squeeze3A_471 = vector.extract %slice3A_470[0] : f32 from vector<1xf32>
      %slice3A_472 = vector.extract_strided_slice %mul3A_95 {offsets = [14], sizes = [1], strides = [1]} : vector<16xf32> to vector<1xf32>
      %squeeze3A_473 = vector.extract %slice3A_472[0] : f32 from vector<1xf32>
      %slice3A_474 = vector.extract_strided_slice %mul3A_95 {offsets = [15], sizes = [1], strides = [1]} : vector<16xf32> to vector<1xf32>
      %squeeze3A_475 = vector.extract %slice3A_474[0] : f32 from vector<1xf32>
      %slice3A_476 = vector.extract_strided_slice %mul3A_113 {offsets = [8], sizes = [1], strides = [1]} : vector<16xf32> to vector<1xf32>
      %squeeze3A_477 = vector.extract %slice3A_476[0] : f32 from vector<1xf32>
      %slice3A_478 = vector.extract_strided_slice %mul3A_113 {offsets = [9], sizes = [1], strides = [1]} : vector<16xf32> to vector<1xf32>
      %squeeze3A_479 = vector.extract %slice3A_478[0] : f32 from vector<1xf32>
      %slice3A_480 = vector.extract_strided_slice %mul3A_113 {offsets = [10], sizes = [1], strides = [1]} : vector<16xf32> to vector<1xf32>
      %squeeze3A_481 = vector.extract %slice3A_480[0] : f32 from vector<1xf32>
      %slice3A_482 = vector.extract_strided_slice %mul3A_113 {offsets = [11], sizes = [1], strides = [1]} : vector<16xf32> to vector<1xf32>
      %squeeze3A_483 = vector.extract %slice3A_482[0] : f32 from vector<1xf32>
      %slice3A_484 = vector.extract_strided_slice %mul3A_113 {offsets = [12], sizes = [1], strides = [1]} : vector<16xf32> to vector<1xf32>
      %squeeze3A_485 = vector.extract %slice3A_484[0] : f32 from vector<1xf32>
      %slice3A_486 = vector.extract_strided_slice %mul3A_113 {offsets = [13], sizes = [1], strides = [1]} : vector<16xf32> to vector<1xf32>
      %squeeze3A_487 = vector.extract %slice3A_486[0] : f32 from vector<1xf32>
      %slice3A_488 = vector.extract_strided_slice %mul3A_113 {offsets = [14], sizes = [1], strides = [1]} : vector<16xf32> to vector<1xf32>
      %squeeze3A_489 = vector.extract %slice3A_488[0] : f32 from vector<1xf32>
      %slice3A_490 = vector.extract_strided_slice %mul3A_113 {offsets = [15], sizes = [1], strides = [1]} : vector<16xf32> to vector<1xf32>
      %squeeze3A_491 = vector.extract %slice3A_490[0] : f32 from vector<1xf32>
      %scan3A_492 = arith.constant 0 : i32
      %scan3A_493 = arith.constant 512 : i32
      %scan3A_494 = arith.addi %scan3A_492, %scan3A_493 : i32
      %scan3A_495 = arith.constant 2 : i32
      %scan3A_496:17 = scf.for %scan3A_789 = %scan3A_492 to %scan3A_494 step %scan3A_495 iter_args(%scan3A_790 = %broadcast_in_dim3A_40, %scan3A_791 = %broadcast_in_dim3A_40, %scan3A_792 = %broadcast_in_dim3A_40, %scan3A_793 = %broadcast_in_dim3A_40, %scan3A_794 = %broadcast_in_dim3A_40, %scan3A_795 = %broadcast_in_dim3A_40, %scan3A_796 = %broadcast_in_dim3A_40, %scan3A_797 = %broadcast_in_dim3A_40, %scan3A_798 = %broadcast_in_dim3A_42, %scan3A_799 = %broadcast_in_dim3A_42, %scan3A_800 = %broadcast_in_dim3A_42, %scan3A_801 = %broadcast_in_dim3A_42, %scan3A_802 = %broadcast_in_dim3A_42, %scan3A_803 = %broadcast_in_dim3A_42, %scan3A_804 = %broadcast_in_dim3A_42, %scan3A_805 = %broadcast_in_dim3A_42, %scan3A_806 = %iota3A) -> (vector<16xf32>, vector<16xf32>, vector<16xf32>, vector<16xf32>, vector<16xf32>, vector<16xf32>, vector<16xf32>, vector<16xf32>, vector<16xi32>, vector<16xi32>, vector<16xi32>, vector<16xi32>, vector<16xi32>, vector<16xi32>, vector<16xi32>, vector<16xi32>, vector<16xi32>)  : i32 {
        %mul3A_807 = arith.constant 16 : i32
        %mul3A_808 = arith.muli %scan3A_789, %mul3A_807 : i32
        %get3A_809 = arith.index_cast %mul3A_808 : i32 to index
        %get3A_810 = tpu.vector_load %arg9[%get3A_809] {strides = array<i32>} : memref<8192xf32, #tpu.memory_space<vmem>>, vector<16xf32>,
        %get3A_811 = arith.index_cast %mul3A_808 : i32 to index
        %get3A_812 = tpu.vector_load %arg10[%get3A_811] {strides = array<i32>} : memref<8192xf32, #tpu.memory_space<vmem>>, vector<16xf32>,
        %get3A_813 = arith.index_cast %mul3A_808 : i32 to index
        %get3A_814 = tpu.vector_load %arg11[%get3A_813] {strides = array<i32>} : memref<8192xf32, #tpu.memory_space<vmem>>, vector<16xf32>,
        %get3A_815 = arith.index_cast %mul3A_808 : i32 to index
        %get3A_816 = tpu.vector_load %arg12[%get3A_815] {strides = array<i32>} : memref<8192xf32, #tpu.memory_space<vmem>>, vector<16xf32>,
        %mul3A_817 = vector.broadcast %squeeze3A_445 : f32 to vector<16xf32>
        %mul3A_818 = arith.mulf %get3A_810, %mul3A_817 : vector<16xf32>
        %add3A_819 = arith.addf %get3A_816, %mul3A_818 : vector<16xf32>
        %mul3A_820 = vector.broadcast %squeeze3A_461 : f32 to vector<16xf32>
        %mul3A_821 = arith.mulf %get3A_812, %mul3A_820 : vector<16xf32>
        %add3A_822 = arith.addf %add3A_819, %mul3A_821 : vector<16xf32>
        %mul3A_823 = vector.broadcast %squeeze3A_477 : f32 to vector<16xf32>
        %mul3A_824 = arith.mulf %get3A_814, %mul3A_823 : vector<16xf32>
        %add3A_825 = arith.addf %add3A_822, %mul3A_824 : vector<16xf32>
        %lt3A_826 = arith.cmpf olt, %add3A_825, %scan3A_790 : vector<16xf32>
        %select_n3A_827 = arith.select %lt3A_826, %add3A_825, %scan3A_790 : vector<16xi1>, vector<16xf32>
        %select_n3A_828 = arith.select %lt3A_826, %scan3A_806, %scan3A_798 : vector<16xi1>, vector<16xi32>
        %mul3A_829 = vector.broadcast %squeeze3A_447 : f32 to vector<16xf32>
        %mul3A_830 = arith.mulf %get3A_810, %mul3A_829 : vector<16xf32>
        %add3A_831 = arith.addf %get3A_816, %mul3A_830 : vector<16xf32>
        %mul3A_832 = vector.broadcast %squeeze3A_463 : f32 to vector<16xf32>
        %mul3A_833 = arith.mulf %get3A_812, %mul3A_832 : vector<16xf32>
        %add3A_834 = arith.addf %add3A_831, %mul3A_833 : vector<16xf32>
        %mul3A_835 = vector.broadcast %squeeze3A_479 : f32 to vector<16xf32>
        %mul3A_836 = arith.mulf %get3A_814, %mul3A_835 : vector<16xf32>
        %add3A_837 = arith.addf %add3A_834, %mul3A_836 : vector<16xf32>
        %lt3A_838 = arith.cmpf olt, %add3A_837, %scan3A_791 : vector<16xf32>
        %select_n3A_839 = arith.select %lt3A_838, %add3A_837, %scan3A_791 : vector<16xi1>, vector<16xf32>
        %select_n3A_840 = arith.select %lt3A_838, %scan3A_806, %scan3A_799 : vector<16xi1>, vector<16xi32>
        %mul3A_841 = vector.broadcast %squeeze3A_449 : f32 to vector<16xf32>
        %mul3A_842 = arith.mulf %get3A_810, %mul3A_841 : vector<16xf32>
        %add3A_843 = arith.addf %get3A_816, %mul3A_842 : vector<16xf32>
        %mul3A_844 = vector.broadcast %squeeze3A_465 : f32 to vector<16xf32>
        %mul3A_845 = arith.mulf %get3A_812, %mul3A_844 : vector<16xf32>
        %add3A_846 = arith.addf %add3A_843, %mul3A_845 : vector<16xf32>
        %mul3A_847 = vector.broadcast %squeeze3A_481 : f32 to vector<16xf32>
        %mul3A_848 = arith.mulf %get3A_814, %mul3A_847 : vector<16xf32>
        %add3A_849 = arith.addf %add3A_846, %mul3A_848 : vector<16xf32>
        %lt3A_850 = arith.cmpf olt, %add3A_849, %scan3A_792 : vector<16xf32>
        %select_n3A_851 = arith.select %lt3A_850, %add3A_849, %scan3A_792 : vector<16xi1>, vector<16xf32>
        %select_n3A_852 = arith.select %lt3A_850, %scan3A_806, %scan3A_800 : vector<16xi1>, vector<16xi32>
        %mul3A_853 = vector.broadcast %squeeze3A_451 : f32 to vector<16xf32>
        %mul3A_854 = arith.mulf %get3A_810, %mul3A_853 : vector<16xf32>
        %add3A_855 = arith.addf %get3A_816, %mul3A_854 : vector<16xf32>
        %mul3A_856 = vector.broadcast %squeeze3A_467 : f32 to vector<16xf32>
        %mul3A_857 = arith.mulf %get3A_812, %mul3A_856 : vector<16xf32>
        %add3A_858 = arith.addf %add3A_855, %mul3A_857 : vector<16xf32>
        %mul3A_859 = vector.broadcast %squeeze3A_483 : f32 to vector<16xf32>
        %mul3A_860 = arith.mulf %get3A_814, %mul3A_859 : vector<16xf32>
        %add3A_861 = arith.addf %add3A_858, %mul3A_860 : vector<16xf32>
        %lt3A_862 = arith.cmpf olt, %add3A_861, %scan3A_793 : vector<16xf32>
        %select_n3A_863 = arith.select %lt3A_862, %add3A_861, %scan3A_793 : vector<16xi1>, vector<16xf32>
        %select_n3A_864 = arith.select %lt3A_862, %scan3A_806, %scan3A_801 : vector<16xi1>, vector<16xi32>
        %mul3A_865 = vector.broadcast %squeeze3A_453 : f32 to vector<16xf32>
        %mul3A_866 = arith.mulf %get3A_810, %mul3A_865 : vector<16xf32>
        %add3A_867 = arith.addf %get3A_816, %mul3A_866 : vector<16xf32>
        %mul3A_868 = vector.broadcast %squeeze3A_469 : f32 to vector<16xf32>
        %mul3A_869 = arith.mulf %get3A_812, %mul3A_868 : vector<16xf32>
        %add3A_870 = arith.addf %add3A_867, %mul3A_869 : vector<16xf32>
        %mul3A_871 = vector.broadcast %squeeze3A_485 : f32 to vector<16xf32>
        %mul3A_872 = arith.mulf %get3A_814, %mul3A_871 : vector<16xf32>
        %add3A_873 = arith.addf %add3A_870, %mul3A_872 : vector<16xf32>
        %lt3A_874 = arith.cmpf olt, %add3A_873, %scan3A_794 : vector<16xf32>
        %select_n3A_875 = arith.select %lt3A_874, %add3A_873, %scan3A_794 : vector<16xi1>, vector<16xf32>
        %select_n3A_876 = arith.select %lt3A_874, %scan3A_806, %scan3A_802 : vector<16xi1>, vector<16xi32>
        %mul3A_877 = vector.broadcast %squeeze3A_455 : f32 to vector<16xf32>
        %mul3A_878 = arith.mulf %get3A_810, %mul3A_877 : vector<16xf32>
        %add3A_879 = arith.addf %get3A_816, %mul3A_878 : vector<16xf32>
        %mul3A_880 = vector.broadcast %squeeze3A_471 : f32 to vector<16xf32>
        %mul3A_881 = arith.mulf %get3A_812, %mul3A_880 : vector<16xf32>
        %add3A_882 = arith.addf %add3A_879, %mul3A_881 : vector<16xf32>
        %mul3A_883 = vector.broadcast %squeeze3A_487 : f32 to vector<16xf32>
        %mul3A_884 = arith.mulf %get3A_814, %mul3A_883 : vector<16xf32>
        %add3A_885 = arith.addf %add3A_882, %mul3A_884 : vector<16xf32>
        %lt3A_886 = arith.cmpf olt, %add3A_885, %scan3A_795 : vector<16xf32>
        %select_n3A_887 = arith.select %lt3A_886, %add3A_885, %scan3A_795 : vector<16xi1>, vector<16xf32>
        %select_n3A_888 = arith.select %lt3A_886, %scan3A_806, %scan3A_803 : vector<16xi1>, vector<16xi32>
        %mul3A_889 = vector.broadcast %squeeze3A_457 : f32 to vector<16xf32>
        %mul3A_890 = arith.mulf %get3A_810, %mul3A_889 : vector<16xf32>
        %add3A_891 = arith.addf %get3A_816, %mul3A_890 : vector<16xf32>
        %mul3A_892 = vector.broadcast %squeeze3A_473 : f32 to vector<16xf32>
        %mul3A_893 = arith.mulf %get3A_812, %mul3A_892 : vector<16xf32>
        %add3A_894 = arith.addf %add3A_891, %mul3A_893 : vector<16xf32>
        %mul3A_895 = vector.broadcast %squeeze3A_489 : f32 to vector<16xf32>
        %mul3A_896 = arith.mulf %get3A_814, %mul3A_895 : vector<16xf32>
        %add3A_897 = arith.addf %add3A_894, %mul3A_896 : vector<16xf32>
        %lt3A_898 = arith.cmpf olt, %add3A_897, %scan3A_796 : vector<16xf32>
        %select_n3A_899 = arith.select %lt3A_898, %add3A_897, %scan3A_796 : vector<16xi1>, vector<16xf32>
        %select_n3A_900 = arith.select %lt3A_898, %scan3A_806, %scan3A_804 : vector<16xi1>, vector<16xi32>
        %mul3A_901 = vector.broadcast %squeeze3A_459 : f32 to vector<16xf32>
        %mul3A_902 = arith.mulf %get3A_810, %mul3A_901 : vector<16xf32>
        %add3A_903 = arith.addf %get3A_816, %mul3A_902 : vector<16xf32>
        %mul3A_904 = vector.broadcast %squeeze3A_475 : f32 to vector<16xf32>
        %mul3A_905 = arith.mulf %get3A_812, %mul3A_904 : vector<16xf32>
        %add3A_906 = arith.addf %add3A_903, %mul3A_905 : vector<16xf32>
        %mul3A_907 = vector.broadcast %squeeze3A_491 : f32 to vector<16xf32>
        %mul3A_908 = arith.mulf %get3A_814, %mul3A_907 : vector<16xf32>
        %add3A_909 = arith.addf %add3A_906, %mul3A_908 : vector<16xf32>
        %lt3A_910 = arith.cmpf olt, %add3A_909, %scan3A_797 : vector<16xf32>
        %select_n3A_911 = arith.select %lt3A_910, %add3A_909, %scan3A_797 : vector<16xi1>, vector<16xf32>
        %select_n3A_912 = arith.select %lt3A_910, %scan3A_806, %scan3A_805 : vector<16xi1>, vector<16xi32>
        %add3A_913 = arith.constant 16 : i32
        %add3A_914 = vector.broadcast %add3A_913 : i32 to vector<16xi32>
        %add3A_915 = arith.addi %scan3A_806, %add3A_914 : vector<16xi32>
        %scan3A_916 = arith.constant 1 : i32
        %scan3A_917 = arith.addi %scan3A_789, %scan3A_916 : i32
        %mul3A_918 = arith.constant 16 : i32
        %mul3A_919 = arith.muli %scan3A_917, %mul3A_918 : i32
        %get3A_920 = arith.index_cast %mul3A_919 : i32 to index
        %get3A_921 = tpu.vector_load %arg9[%get3A_920] {strides = array<i32>} : memref<8192xf32, #tpu.memory_space<vmem>>, vector<16xf32>,
        %get3A_922 = arith.index_cast %mul3A_919 : i32 to index
        %get3A_923 = tpu.vector_load %arg10[%get3A_922] {strides = array<i32>} : memref<8192xf32, #tpu.memory_space<vmem>>, vector<16xf32>,
        %get3A_924 = arith.index_cast %mul3A_919 : i32 to index
        %get3A_925 = tpu.vector_load %arg11[%get3A_924] {strides = array<i32>} : memref<8192xf32, #tpu.memory_space<vmem>>, vector<16xf32>,
        %get3A_926 = arith.index_cast %mul3A_919 : i32 to index
        %get3A_927 = tpu.vector_load %arg12[%get3A_926] {strides = array<i32>} : memref<8192xf32, #tpu.memory_space<vmem>>, vector<16xf32>,
        %mul3A_928 = vector.broadcast %squeeze3A_445 : f32 to vector<16xf32>
        %mul3A_929 = arith.mulf %get3A_921, %mul3A_928 : vector<16xf32>
        %add3A_930 = arith.addf %get3A_927, %mul3A_929 : vector<16xf32>
        %mul3A_931 = vector.broadcast %squeeze3A_461 : f32 to vector<16xf32>
        %mul3A_932 = arith.mulf %get3A_923, %mul3A_931 : vector<16xf32>
        %add3A_933 = arith.addf %add3A_930, %mul3A_932 : vector<16xf32>
        %mul3A_934 = vector.broadcast %squeeze3A_477 : f32 to vector<16xf32>
        %mul3A_935 = arith.mulf %get3A_925, %mul3A_934 : vector<16xf32>
        %add3A_936 = arith.addf %add3A_933, %mul3A_935 : vector<16xf32>
        %lt3A_937 = arith.cmpf olt, %add3A_936, %select_n3A_827 : vector<16xf32>
        %select_n3A_938 = arith.select %lt3A_937, %add3A_936, %select_n3A_827 : vector<16xi1>, vector<16xf32>
        %select_n3A_939 = arith.select %lt3A_937, %add3A_915, %select_n3A_828 : vector<16xi1>, vector<16xi32>
        %mul3A_940 = vector.broadcast %squeeze3A_447 : f32 to vector<16xf32>
        %mul3A_941 = arith.mulf %get3A_921, %mul3A_940 : vector<16xf32>
        %add3A_942 = arith.addf %get3A_927, %mul3A_941 : vector<16xf32>
        %mul3A_943 = vector.broadcast %squeeze3A_463 : f32 to vector<16xf32>
        %mul3A_944 = arith.mulf %get3A_923, %mul3A_943 : vector<16xf32>
        %add3A_945 = arith.addf %add3A_942, %mul3A_944 : vector<16xf32>
        %mul3A_946 = vector.broadcast %squeeze3A_479 : f32 to vector<16xf32>
        %mul3A_947 = arith.mulf %get3A_925, %mul3A_946 : vector<16xf32>
        %add3A_948 = arith.addf %add3A_945, %mul3A_947 : vector<16xf32>
        %lt3A_949 = arith.cmpf olt, %add3A_948, %select_n3A_839 : vector<16xf32>
        %select_n3A_950 = arith.select %lt3A_949, %add3A_948, %select_n3A_839 : vector<16xi1>, vector<16xf32>
        %select_n3A_951 = arith.select %lt3A_949, %add3A_915, %select_n3A_840 : vector<16xi1>, vector<16xi32>
        %mul3A_952 = vector.broadcast %squeeze3A_449 : f32 to vector<16xf32>
        %mul3A_953 = arith.mulf %get3A_921, %mul3A_952 : vector<16xf32>
        %add3A_954 = arith.addf %get3A_927, %mul3A_953 : vector<16xf32>
        %mul3A_955 = vector.broadcast %squeeze3A_465 : f32 to vector<16xf32>
        %mul3A_956 = arith.mulf %get3A_923, %mul3A_955 : vector<16xf32>
        %add3A_957 = arith.addf %add3A_954, %mul3A_956 : vector<16xf32>
        %mul3A_958 = vector.broadcast %squeeze3A_481 : f32 to vector<16xf32>
        %mul3A_959 = arith.mulf %get3A_925, %mul3A_958 : vector<16xf32>
        %add3A_960 = arith.addf %add3A_957, %mul3A_959 : vector<16xf32>
        %lt3A_961 = arith.cmpf olt, %add3A_960, %select_n3A_851 : vector<16xf32>
        %select_n3A_962 = arith.select %lt3A_961, %add3A_960, %select_n3A_851 : vector<16xi1>, vector<16xf32>
        %select_n3A_963 = arith.select %lt3A_961, %add3A_915, %select_n3A_852 : vector<16xi1>, vector<16xi32>
        %mul3A_964 = vector.broadcast %squeeze3A_451 : f32 to vector<16xf32>
        %mul3A_965 = arith.mulf %get3A_921, %mul3A_964 : vector<16xf32>
        %add3A_966 = arith.addf %get3A_927, %mul3A_965 : vector<16xf32>
        %mul3A_967 = vector.broadcast %squeeze3A_467 : f32 to vector<16xf32>
        %mul3A_968 = arith.mulf %get3A_923, %mul3A_967 : vector<16xf32>
        %add3A_969 = arith.addf %add3A_966, %mul3A_968 : vector<16xf32>
        %mul3A_970 = vector.broadcast %squeeze3A_483 : f32 to vector<16xf32>
        %mul3A_971 = arith.mulf %get3A_925, %mul3A_970 : vector<16xf32>
        %add3A_972 = arith.addf %add3A_969, %mul3A_971 : vector<16xf32>
        %lt3A_973 = arith.cmpf olt, %add3A_972, %select_n3A_863 : vector<16xf32>
        %select_n3A_974 = arith.select %lt3A_973, %add3A_972, %select_n3A_863 : vector<16xi1>, vector<16xf32>
        %select_n3A_975 = arith.select %lt3A_973, %add3A_915, %select_n3A_864 : vector<16xi1>, vector<16xi32>
        %mul3A_976 = vector.broadcast %squeeze3A_453 : f32 to vector<16xf32>
        %mul3A_977 = arith.mulf %get3A_921, %mul3A_976 : vector<16xf32>
        %add3A_978 = arith.addf %get3A_927, %mul3A_977 : vector<16xf32>
        %mul3A_979 = vector.broadcast %squeeze3A_469 : f32 to vector<16xf32>
        %mul3A_980 = arith.mulf %get3A_923, %mul3A_979 : vector<16xf32>
        %add3A_981 = arith.addf %add3A_978, %mul3A_980 : vector<16xf32>
        %mul3A_982 = vector.broadcast %squeeze3A_485 : f32 to vector<16xf32>
        %mul3A_983 = arith.mulf %get3A_925, %mul3A_982 : vector<16xf32>
        %add3A_984 = arith.addf %add3A_981, %mul3A_983 : vector<16xf32>
        %lt3A_985 = arith.cmpf olt, %add3A_984, %select_n3A_875 : vector<16xf32>
        %select_n3A_986 = arith.select %lt3A_985, %add3A_984, %select_n3A_875 : vector<16xi1>, vector<16xf32>
        %select_n3A_987 = arith.select %lt3A_985, %add3A_915, %select_n3A_876 : vector<16xi1>, vector<16xi32>
        %mul3A_988 = vector.broadcast %squeeze3A_455 : f32 to vector<16xf32>
        %mul3A_989 = arith.mulf %get3A_921, %mul3A_988 : vector<16xf32>
        %add3A_990 = arith.addf %get3A_927, %mul3A_989 : vector<16xf32>
        %mul3A_991 = vector.broadcast %squeeze3A_471 : f32 to vector<16xf32>
        %mul3A_992 = arith.mulf %get3A_923, %mul3A_991 : vector<16xf32>
        %add3A_993 = arith.addf %add3A_990, %mul3A_992 : vector<16xf32>
        %mul3A_994 = vector.broadcast %squeeze3A_487 : f32 to vector<16xf32>
        %mul3A_995 = arith.mulf %get3A_925, %mul3A_994 : vector<16xf32>
        %add3A_996 = arith.addf %add3A_993, %mul3A_995 : vector<16xf32>
        %lt3A_997 = arith.cmpf olt, %add3A_996, %select_n3A_887 : vector<16xf32>
        %select_n3A_998 = arith.select %lt3A_997, %add3A_996, %select_n3A_887 : vector<16xi1>, vector<16xf32>
        %select_n3A_999 = arith.select %lt3A_997, %add3A_915, %select_n3A_888 : vector<16xi1>, vector<16xi32>
        %mul3A_1000 = vector.broadcast %squeeze3A_457 : f32 to vector<16xf32>
        %mul3A_1001 = arith.mulf %get3A_921, %mul3A_1000 : vector<16xf32>
        %add3A_1002 = arith.addf %get3A_927, %mul3A_1001 : vector<16xf32>
        %mul3A_1003 = vector.broadcast %squeeze3A_473 : f32 to vector<16xf32>
        %mul3A_1004 = arith.mulf %get3A_923, %mul3A_1003 : vector<16xf32>
        %add3A_1005 = arith.addf %add3A_1002, %mul3A_1004 : vector<16xf32>
        %mul3A_1006 = vector.broadcast %squeeze3A_489 : f32 to vector<16xf32>
        %mul3A_1007 = arith.mulf %get3A_925, %mul3A_1006 : vector<16xf32>
        %add3A_1008 = arith.addf %add3A_1005, %mul3A_1007 : vector<16xf32>
        %lt3A_1009 = arith.cmpf olt, %add3A_1008, %select_n3A_899 : vector<16xf32>
        %select_n3A_1010 = arith.select %lt3A_1009, %add3A_1008, %select_n3A_899 : vector<16xi1>, vector<16xf32>
        %select_n3A_1011 = arith.select %lt3A_1009, %add3A_915, %select_n3A_900 : vector<16xi1>, vector<16xi32>
        %mul3A_1012 = vector.broadcast %squeeze3A_459 : f32 to vector<16xf32>
        %mul3A_1013 = arith.mulf %get3A_921, %mul3A_1012 : vector<16xf32>
        %add3A_1014 = arith.addf %get3A_927, %mul3A_1013 : vector<16xf32>
        %mul3A_1015 = vector.broadcast %squeeze3A_475 : f32 to vector<16xf32>
        %mul3A_1016 = arith.mulf %get3A_923, %mul3A_1015 : vector<16xf32>
        %add3A_1017 = arith.addf %add3A_1014, %mul3A_1016 : vector<16xf32>
        %mul3A_1018 = vector.broadcast %squeeze3A_491 : f32 to vector<16xf32>
        %mul3A_1019 = arith.mulf %get3A_925, %mul3A_1018 : vector<16xf32>
        %add3A_1020 = arith.addf %add3A_1017, %mul3A_1019 : vector<16xf32>
        %lt3A_1021 = arith.cmpf olt, %add3A_1020, %select_n3A_911 : vector<16xf32>
        %select_n3A_1022 = arith.select %lt3A_1021, %add3A_1020, %select_n3A_911 : vector<16xi1>, vector<16xf32>
        %select_n3A_1023 = arith.select %lt3A_1021, %add3A_915, %select_n3A_912 : vector<16xi1>, vector<16xi32>
        %add3A_1024 = arith.constant 16 : i32
        %add3A_1025 = vector.broadcast %add3A_1024 : i32 to vector<16xi32>
        %add3A_1026 = arith.addi %add3A_915, %add3A_1025 : vector<16xi32>
        scf.yield %select_n3A_938, %select_n3A_950, %select_n3A_962, %select_n3A_974, %select_n3A_986, %select_n3A_998, %select_n3A_1010, %select_n3A_1022, %select_n3A_939, %select_n3A_951, %select_n3A_963, %select_n3A_975, %select_n3A_987, %select_n3A_999, %select_n3A_1011, %select_n3A_1023, %add3A_1026 : vector<16xf32>, vector<16xf32>, vector<16xf32>, vector<16xf32>, vector<16xf32>, vector<16xf32>, vector<16xf32>, vector<16xf32>, vector<16xi32>, vector<16xi32>, vector<16xi32>, vector<16xi32>, vector<16xi32>, vector<16xi32>, vector<16xi32>, vector<16xi32>, vector<16xi32>
      }
      %scan3A_497 = arith.constant 512 : i32
      %neg3A_498 = arith.constant 0.000000e+00 : f32
      %neg3A_499 = vector.broadcast %neg3A_498 : f32 to vector<16xf32>
      %neg3A_500 = arith.subf %neg3A_499, %scan3A_496#0 : vector<16xf32>
      %broadcast_in_dim3A_501 = arith.constant true
      %broadcast_in_dim3A_502 = vector.broadcast %broadcast_in_dim3A_501 : i1 to vector<16xi1>
      %masked_cummax3A_503 = tpu.scan <max>, %neg3A_500 masked %broadcast_in_dim3A_502 : vector<16xf32>, vector<16xi1> -> vector<16xf32>
      %neg3A_504 = arith.constant 0.000000e+00 : f32
      %neg3A_505 = vector.broadcast %neg3A_504 : f32 to vector<16xf32>
      %neg3A_506 = arith.subf %neg3A_505, %masked_cummax3A_503 : vector<16xf32>
      %slice3A_507 = vector.extract_strided_slice %neg3A_506 {offsets = [15], sizes = [1], strides = [1]} : vector<16xf32> to vector<1xf32>
      %squeeze3A_508 = vector.extract %slice3A_507[0] : f32 from vector<1xf32>
      %eq3A_509 = vector.broadcast %squeeze3A_508 : f32 to vector<16xf32>
      %eq3A_510 = arith.cmpf oeq, %scan3A_496#0, %eq3A_509 : vector<16xf32>
      %broadcast_in_dim3A_511 = vector.broadcast %scan3A_45 : i32 to vector<16xi32>
      %select_n3A_512 = arith.select %eq3A_510, %scan3A_496#8, %broadcast_in_dim3A_511 : vector<16xi1>, vector<16xi32>
      %neg3A_513 = arith.constant 0 : i32
      %neg3A_514 = vector.broadcast %neg3A_513 : i32 to vector<16xi32>
      %neg3A_515 = arith.subi %neg3A_514, %select_n3A_512 : vector<16xi32>
      %broadcast_in_dim3A_516 = arith.constant true
      %broadcast_in_dim3A_517 = vector.broadcast %broadcast_in_dim3A_516 : i1 to vector<16xi1>
      %masked_cummax3A_518 = arith.constant -2147483648 : i32
      %masked_cummax3A_519 = vector.broadcast %masked_cummax3A_518 : i32 to vector<16xi32>
      %masked_cummax3A_520 = arith.xori %neg3A_515, %masked_cummax3A_519 : vector<16xi32>
      %masked_cummax3A_521 = tpu.scan <max>, %masked_cummax3A_520 masked %broadcast_in_dim3A_517 : vector<16xi32>, vector<16xi1> -> vector<16xi32>
      %masked_cummax3A_522 = arith.xori %masked_cummax3A_521, %masked_cummax3A_519 : vector<16xi32>
      %neg3A_523 = arith.constant 0 : i32
      %neg3A_524 = vector.broadcast %neg3A_523 : i32 to vector<16xi32>
      %neg3A_525 = arith.subi %neg3A_524, %masked_cummax3A_522 : vector<16xi32>
      %eq3A_526 = arith.constant 8 : i32
      %eq3A_527 = vector.broadcast %eq3A_526 : i32 to vector<16xi32>
      %eq3A_528 = arith.cmpi eq, %iota3A, %eq3A_527 : vector<16xi32>
      %slice3A_529 = vector.extract_strided_slice %neg3A_525 {offsets = [15], sizes = [1], strides = [1]} : vector<16xi32> to vector<1xi32>
      %squeeze3A_530 = vector.extract %slice3A_529[0] : i32 from vector<1xi32>
      %broadcast_in_dim3A_531 = vector.broadcast %squeeze3A_530 : i32 to vector<16xi32>
      %select_n3A_532 = arith.select %eq3A_528, %broadcast_in_dim3A_531, %select_n3A_443 : vector<16xi1>, vector<16xi32>
      %neg3A_533 = arith.constant 0.000000e+00 : f32
      %neg3A_534 = vector.broadcast %neg3A_533 : f32 to vector<16xf32>
      %neg3A_535 = arith.subf %neg3A_534, %scan3A_496#1 : vector<16xf32>
      %broadcast_in_dim3A_536 = arith.constant true
      %broadcast_in_dim3A_537 = vector.broadcast %broadcast_in_dim3A_536 : i1 to vector<16xi1>
      %masked_cummax3A_538 = tpu.scan <max>, %neg3A_535 masked %broadcast_in_dim3A_537 : vector<16xf32>, vector<16xi1> -> vector<16xf32>
      %neg3A_539 = arith.constant 0.000000e+00 : f32
      %neg3A_540 = vector.broadcast %neg3A_539 : f32 to vector<16xf32>
      %neg3A_541 = arith.subf %neg3A_540, %masked_cummax3A_538 : vector<16xf32>
      %slice3A_542 = vector.extract_strided_slice %neg3A_541 {offsets = [15], sizes = [1], strides = [1]} : vector<16xf32> to vector<1xf32>
      %squeeze3A_543 = vector.extract %slice3A_542[0] : f32 from vector<1xf32>
      %eq3A_544 = vector.broadcast %squeeze3A_543 : f32 to vector<16xf32>
      %eq3A_545 = arith.cmpf oeq, %scan3A_496#1, %eq3A_544 : vector<16xf32>
      %broadcast_in_dim3A_546 = vector.broadcast %scan3A_45 : i32 to vector<16xi32>
      %select_n3A_547 = arith.select %eq3A_545, %scan3A_496#9, %broadcast_in_dim3A_546 : vector<16xi1>, vector<16xi32>
      %neg3A_548 = arith.constant 0 : i32
      %neg3A_549 = vector.broadcast %neg3A_548 : i32 to vector<16xi32>
      %neg3A_550 = arith.subi %neg3A_549, %select_n3A_547 : vector<16xi32>
      %broadcast_in_dim3A_551 = arith.constant true
      %broadcast_in_dim3A_552 = vector.broadcast %broadcast_in_dim3A_551 : i1 to vector<16xi1>
      %masked_cummax3A_553 = arith.constant -2147483648 : i32
      %masked_cummax3A_554 = vector.broadcast %masked_cummax3A_553 : i32 to vector<16xi32>
      %masked_cummax3A_555 = arith.xori %neg3A_550, %masked_cummax3A_554 : vector<16xi32>
      %masked_cummax3A_556 = tpu.scan <max>, %masked_cummax3A_555 masked %broadcast_in_dim3A_552 : vector<16xi32>, vector<16xi1> -> vector<16xi32>
      %masked_cummax3A_557 = arith.xori %masked_cummax3A_556, %masked_cummax3A_554 : vector<16xi32>
      %neg3A_558 = arith.constant 0 : i32
      %neg3A_559 = vector.broadcast %neg3A_558 : i32 to vector<16xi32>
      %neg3A_560 = arith.subi %neg3A_559, %masked_cummax3A_557 : vector<16xi32>
      %eq3A_561 = arith.constant 9 : i32
      %eq3A_562 = vector.broadcast %eq3A_561 : i32 to vector<16xi32>
      %eq3A_563 = arith.cmpi eq, %iota3A, %eq3A_562 : vector<16xi32>
      %slice3A_564 = vector.extract_strided_slice %neg3A_560 {offsets = [15], sizes = [1], strides = [1]} : vector<16xi32> to vector<1xi32>
      %squeeze3A_565 = vector.extract %slice3A_564[0] : i32 from vector<1xi32>
      %broadcast_in_dim3A_566 = vector.broadcast %squeeze3A_565 : i32 to vector<16xi32>
      %select_n3A_567 = arith.select %eq3A_563, %broadcast_in_dim3A_566, %select_n3A_532 : vector<16xi1>, vector<16xi32>
      %neg3A_568 = arith.constant 0.000000e+00 : f32
      %neg3A_569 = vector.broadcast %neg3A_568 : f32 to vector<16xf32>
      %neg3A_570 = arith.subf %neg3A_569, %scan3A_496#2 : vector<16xf32>
      %broadcast_in_dim3A_571 = arith.constant true
      %broadcast_in_dim3A_572 = vector.broadcast %broadcast_in_dim3A_571 : i1 to vector<16xi1>
      %masked_cummax3A_573 = tpu.scan <max>, %neg3A_570 masked %broadcast_in_dim3A_572 : vector<16xf32>, vector<16xi1> -> vector<16xf32>
      %neg3A_574 = arith.constant 0.000000e+00 : f32
      %neg3A_575 = vector.broadcast %neg3A_574 : f32 to vector<16xf32>
      %neg3A_576 = arith.subf %neg3A_575, %masked_cummax3A_573 : vector<16xf32>
      %slice3A_577 = vector.extract_strided_slice %neg3A_576 {offsets = [15], sizes = [1], strides = [1]} : vector<16xf32> to vector<1xf32>
      %squeeze3A_578 = vector.extract %slice3A_577[0] : f32 from vector<1xf32>
      %eq3A_579 = vector.broadcast %squeeze3A_578 : f32 to vector<16xf32>
      %eq3A_580 = arith.cmpf oeq, %scan3A_496#2, %eq3A_579 : vector<16xf32>
      %broadcast_in_dim3A_581 = vector.broadcast %scan3A_45 : i32 to vector<16xi32>
      %select_n3A_582 = arith.select %eq3A_580, %scan3A_496#10, %broadcast_in_dim3A_581 : vector<16xi1>, vector<16xi32>
      %neg3A_583 = arith.constant 0 : i32
      %neg3A_584 = vector.broadcast %neg3A_583 : i32 to vector<16xi32>
      %neg3A_585 = arith.subi %neg3A_584, %select_n3A_582 : vector<16xi32>
      %broadcast_in_dim3A_586 = arith.constant true
      %broadcast_in_dim3A_587 = vector.broadcast %broadcast_in_dim3A_586 : i1 to vector<16xi1>
      %masked_cummax3A_588 = arith.constant -2147483648 : i32
      %masked_cummax3A_589 = vector.broadcast %masked_cummax3A_588 : i32 to vector<16xi32>
      %masked_cummax3A_590 = arith.xori %neg3A_585, %masked_cummax3A_589 : vector<16xi32>
      %masked_cummax3A_591 = tpu.scan <max>, %masked_cummax3A_590 masked %broadcast_in_dim3A_587 : vector<16xi32>, vector<16xi1> -> vector<16xi32>
      %masked_cummax3A_592 = arith.xori %masked_cummax3A_591, %masked_cummax3A_589 : vector<16xi32>
      %neg3A_593 = arith.constant 0 : i32
      %neg3A_594 = vector.broadcast %neg3A_593 : i32 to vector<16xi32>
      %neg3A_595 = arith.subi %neg3A_594, %masked_cummax3A_592 : vector<16xi32>
      %eq3A_596 = arith.constant 10 : i32
      %eq3A_597 = vector.broadcast %eq3A_596 : i32 to vector<16xi32>
      %eq3A_598 = arith.cmpi eq, %iota3A, %eq3A_597 : vector<16xi32>
      %slice3A_599 = vector.extract_strided_slice %neg3A_595 {offsets = [15], sizes = [1], strides = [1]} : vector<16xi32> to vector<1xi32>
      %squeeze3A_600 = vector.extract %slice3A_599[0] : i32 from vector<1xi32>
      %broadcast_in_dim3A_601 = vector.broadcast %squeeze3A_600 : i32 to vector<16xi32>
      %select_n3A_602 = arith.select %eq3A_598, %broadcast_in_dim3A_601, %select_n3A_567 : vector<16xi1>, vector<16xi32>
      %neg3A_603 = arith.constant 0.000000e+00 : f32
      %neg3A_604 = vector.broadcast %neg3A_603 : f32 to vector<16xf32>
      %neg3A_605 = arith.subf %neg3A_604, %scan3A_496#3 : vector<16xf32>
      %broadcast_in_dim3A_606 = arith.constant true
      %broadcast_in_dim3A_607 = vector.broadcast %broadcast_in_dim3A_606 : i1 to vector<16xi1>
      %masked_cummax3A_608 = tpu.scan <max>, %neg3A_605 masked %broadcast_in_dim3A_607 : vector<16xf32>, vector<16xi1> -> vector<16xf32>
      %neg3A_609 = arith.constant 0.000000e+00 : f32
      %neg3A_610 = vector.broadcast %neg3A_609 : f32 to vector<16xf32>
      %neg3A_611 = arith.subf %neg3A_610, %masked_cummax3A_608 : vector<16xf32>
      %slice3A_612 = vector.extract_strided_slice %neg3A_611 {offsets = [15], sizes = [1], strides = [1]} : vector<16xf32> to vector<1xf32>
      %squeeze3A_613 = vector.extract %slice3A_612[0] : f32 from vector<1xf32>
      %eq3A_614 = vector.broadcast %squeeze3A_613 : f32 to vector<16xf32>
      %eq3A_615 = arith.cmpf oeq, %scan3A_496#3, %eq3A_614 : vector<16xf32>
      %broadcast_in_dim3A_616 = vector.broadcast %scan3A_45 : i32 to vector<16xi32>
      %select_n3A_617 = arith.select %eq3A_615, %scan3A_496#11, %broadcast_in_dim3A_616 : vector<16xi1>, vector<16xi32>
      %neg3A_618 = arith.constant 0 : i32
      %neg3A_619 = vector.broadcast %neg3A_618 : i32 to vector<16xi32>
      %neg3A_620 = arith.subi %neg3A_619, %select_n3A_617 : vector<16xi32>
      %broadcast_in_dim3A_621 = arith.constant true
      %broadcast_in_dim3A_622 = vector.broadcast %broadcast_in_dim3A_621 : i1 to vector<16xi1>
      %masked_cummax3A_623 = arith.constant -2147483648 : i32
      %masked_cummax3A_624 = vector.broadcast %masked_cummax3A_623 : i32 to vector<16xi32>
      %masked_cummax3A_625 = arith.xori %neg3A_620, %masked_cummax3A_624 : vector<16xi32>
      %masked_cummax3A_626 = tpu.scan <max>, %masked_cummax3A_625 masked %broadcast_in_dim3A_622 : vector<16xi32>, vector<16xi1> -> vector<16xi32>
      %masked_cummax3A_627 = arith.xori %masked_cummax3A_626, %masked_cummax3A_624 : vector<16xi32>
      %neg3A_628 = arith.constant 0 : i32
      %neg3A_629 = vector.broadcast %neg3A_628 : i32 to vector<16xi32>
      %neg3A_630 = arith.subi %neg3A_629, %masked_cummax3A_627 : vector<16xi32>
      %eq3A_631 = arith.constant 11 : i32
      %eq3A_632 = vector.broadcast %eq3A_631 : i32 to vector<16xi32>
      %eq3A_633 = arith.cmpi eq, %iota3A, %eq3A_632 : vector<16xi32>
      %slice3A_634 = vector.extract_strided_slice %neg3A_630 {offsets = [15], sizes = [1], strides = [1]} : vector<16xi32> to vector<1xi32>
      %squeeze3A_635 = vector.extract %slice3A_634[0] : i32 from vector<1xi32>
      %broadcast_in_dim3A_636 = vector.broadcast %squeeze3A_635 : i32 to vector<16xi32>
      %select_n3A_637 = arith.select %eq3A_633, %broadcast_in_dim3A_636, %select_n3A_602 : vector<16xi1>, vector<16xi32>
      %neg3A_638 = arith.constant 0.000000e+00 : f32
      %neg3A_639 = vector.broadcast %neg3A_638 : f32 to vector<16xf32>
      %neg3A_640 = arith.subf %neg3A_639, %scan3A_496#4 : vector<16xf32>
      %broadcast_in_dim3A_641 = arith.constant true
      %broadcast_in_dim3A_642 = vector.broadcast %broadcast_in_dim3A_641 : i1 to vector<16xi1>
      %masked_cummax3A_643 = tpu.scan <max>, %neg3A_640 masked %broadcast_in_dim3A_642 : vector<16xf32>, vector<16xi1> -> vector<16xf32>
      %neg3A_644 = arith.constant 0.000000e+00 : f32
      %neg3A_645 = vector.broadcast %neg3A_644 : f32 to vector<16xf32>
      %neg3A_646 = arith.subf %neg3A_645, %masked_cummax3A_643 : vector<16xf32>
      %slice3A_647 = vector.extract_strided_slice %neg3A_646 {offsets = [15], sizes = [1], strides = [1]} : vector<16xf32> to vector<1xf32>
      %squeeze3A_648 = vector.extract %slice3A_647[0] : f32 from vector<1xf32>
      %eq3A_649 = vector.broadcast %squeeze3A_648 : f32 to vector<16xf32>
      %eq3A_650 = arith.cmpf oeq, %scan3A_496#4, %eq3A_649 : vector<16xf32>
      %broadcast_in_dim3A_651 = vector.broadcast %scan3A_45 : i32 to vector<16xi32>
      %select_n3A_652 = arith.select %eq3A_650, %scan3A_496#12, %broadcast_in_dim3A_651 : vector<16xi1>, vector<16xi32>
      %neg3A_653 = arith.constant 0 : i32
      %neg3A_654 = vector.broadcast %neg3A_653 : i32 to vector<16xi32>
      %neg3A_655 = arith.subi %neg3A_654, %select_n3A_652 : vector<16xi32>
      %broadcast_in_dim3A_656 = arith.constant true
      %broadcast_in_dim3A_657 = vector.broadcast %broadcast_in_dim3A_656 : i1 to vector<16xi1>
      %masked_cummax3A_658 = arith.constant -2147483648 : i32
      %masked_cummax3A_659 = vector.broadcast %masked_cummax3A_658 : i32 to vector<16xi32>
      %masked_cummax3A_660 = arith.xori %neg3A_655, %masked_cummax3A_659 : vector<16xi32>
      %masked_cummax3A_661 = tpu.scan <max>, %masked_cummax3A_660 masked %broadcast_in_dim3A_657 : vector<16xi32>, vector<16xi1> -> vector<16xi32>
      %masked_cummax3A_662 = arith.xori %masked_cummax3A_661, %masked_cummax3A_659 : vector<16xi32>
      %neg3A_663 = arith.constant 0 : i32
      %neg3A_664 = vector.broadcast %neg3A_663 : i32 to vector<16xi32>
      %neg3A_665 = arith.subi %neg3A_664, %masked_cummax3A_662 : vector<16xi32>
      %eq3A_666 = arith.constant 12 : i32
      %eq3A_667 = vector.broadcast %eq3A_666 : i32 to vector<16xi32>
      %eq3A_668 = arith.cmpi eq, %iota3A, %eq3A_667 : vector<16xi32>
      %slice3A_669 = vector.extract_strided_slice %neg3A_665 {offsets = [15], sizes = [1], strides = [1]} : vector<16xi32> to vector<1xi32>
      %squeeze3A_670 = vector.extract %slice3A_669[0] : i32 from vector<1xi32>
      %broadcast_in_dim3A_671 = vector.broadcast %squeeze3A_670 : i32 to vector<16xi32>
      %select_n3A_672 = arith.select %eq3A_668, %broadcast_in_dim3A_671, %select_n3A_637 : vector<16xi1>, vector<16xi32>
      %neg3A_673 = arith.constant 0.000000e+00 : f32
      %neg3A_674 = vector.broadcast %neg3A_673 : f32 to vector<16xf32>
      %neg3A_675 = arith.subf %neg3A_674, %scan3A_496#5 : vector<16xf32>
      %broadcast_in_dim3A_676 = arith.constant true
      %broadcast_in_dim3A_677 = vector.broadcast %broadcast_in_dim3A_676 : i1 to vector<16xi1>
      %masked_cummax3A_678 = tpu.scan <max>, %neg3A_675 masked %broadcast_in_dim3A_677 : vector<16xf32>, vector<16xi1> -> vector<16xf32>
      %neg3A_679 = arith.constant 0.000000e+00 : f32
      %neg3A_680 = vector.broadcast %neg3A_679 : f32 to vector<16xf32>
      %neg3A_681 = arith.subf %neg3A_680, %masked_cummax3A_678 : vector<16xf32>
      %slice3A_682 = vector.extract_strided_slice %neg3A_681 {offsets = [15], sizes = [1], strides = [1]} : vector<16xf32> to vector<1xf32>
      %squeeze3A_683 = vector.extract %slice3A_682[0] : f32 from vector<1xf32>
      %eq3A_684 = vector.broadcast %squeeze3A_683 : f32 to vector<16xf32>
      %eq3A_685 = arith.cmpf oeq, %scan3A_496#5, %eq3A_684 : vector<16xf32>
      %broadcast_in_dim3A_686 = vector.broadcast %scan3A_45 : i32 to vector<16xi32>
      %select_n3A_687 = arith.select %eq3A_685, %scan3A_496#13, %broadcast_in_dim3A_686 : vector<16xi1>, vector<16xi32>
      %neg3A_688 = arith.constant 0 : i32
      %neg3A_689 = vector.broadcast %neg3A_688 : i32 to vector<16xi32>
      %neg3A_690 = arith.subi %neg3A_689, %select_n3A_687 : vector<16xi32>
      %broadcast_in_dim3A_691 = arith.constant true
      %broadcast_in_dim3A_692 = vector.broadcast %broadcast_in_dim3A_691 : i1 to vector<16xi1>
      %masked_cummax3A_693 = arith.constant -2147483648 : i32
      %masked_cummax3A_694 = vector.broadcast %masked_cummax3A_693 : i32 to vector<16xi32>
      %masked_cummax3A_695 = arith.xori %neg3A_690, %masked_cummax3A_694 : vector<16xi32>
      %masked_cummax3A_696 = tpu.scan <max>, %masked_cummax3A_695 masked %broadcast_in_dim3A_692 : vector<16xi32>, vector<16xi1> -> vector<16xi32>
      %masked_cummax3A_697 = arith.xori %masked_cummax3A_696, %masked_cummax3A_694 : vector<16xi32>
      %neg3A_698 = arith.constant 0 : i32
      %neg3A_699 = vector.broadcast %neg3A_698 : i32 to vector<16xi32>
      %neg3A_700 = arith.subi %neg3A_699, %masked_cummax3A_697 : vector<16xi32>
      %eq3A_701 = arith.constant 13 : i32
      %eq3A_702 = vector.broadcast %eq3A_701 : i32 to vector<16xi32>
      %eq3A_703 = arith.cmpi eq, %iota3A, %eq3A_702 : vector<16xi32>
      %slice3A_704 = vector.extract_strided_slice %neg3A_700 {offsets = [15], sizes = [1], strides = [1]} : vector<16xi32> to vector<1xi32>
      %squeeze3A_705 = vector.extract %slice3A_704[0] : i32 from vector<1xi32>
      %broadcast_in_dim3A_706 = vector.broadcast %squeeze3A_705 : i32 to vector<16xi32>
      %select_n3A_707 = arith.select %eq3A_703, %broadcast_in_dim3A_706, %select_n3A_672 : vector<16xi1>, vector<16xi32>
      %neg3A_708 = arith.constant 0.000000e+00 : f32
      %neg3A_709 = vector.broadcast %neg3A_708 : f32 to vector<16xf32>
      %neg3A_710 = arith.subf %neg3A_709, %scan3A_496#6 : vector<16xf32>
      %broadcast_in_dim3A_711 = arith.constant true
      %broadcast_in_dim3A_712 = vector.broadcast %broadcast_in_dim3A_711 : i1 to vector<16xi1>
      %masked_cummax3A_713 = tpu.scan <max>, %neg3A_710 masked %broadcast_in_dim3A_712 : vector<16xf32>, vector<16xi1> -> vector<16xf32>
      %neg3A_714 = arith.constant 0.000000e+00 : f32
      %neg3A_715 = vector.broadcast %neg3A_714 : f32 to vector<16xf32>
      %neg3A_716 = arith.subf %neg3A_715, %masked_cummax3A_713 : vector<16xf32>
      %slice3A_717 = vector.extract_strided_slice %neg3A_716 {offsets = [15], sizes = [1], strides = [1]} : vector<16xf32> to vector<1xf32>
      %squeeze3A_718 = vector.extract %slice3A_717[0] : f32 from vector<1xf32>
      %eq3A_719 = vector.broadcast %squeeze3A_718 : f32 to vector<16xf32>
      %eq3A_720 = arith.cmpf oeq, %scan3A_496#6, %eq3A_719 : vector<16xf32>
      %broadcast_in_dim3A_721 = vector.broadcast %scan3A_45 : i32 to vector<16xi32>
      %select_n3A_722 = arith.select %eq3A_720, %scan3A_496#14, %broadcast_in_dim3A_721 : vector<16xi1>, vector<16xi32>
      %neg3A_723 = arith.constant 0 : i32
      %neg3A_724 = vector.broadcast %neg3A_723 : i32 to vector<16xi32>
      %neg3A_725 = arith.subi %neg3A_724, %select_n3A_722 : vector<16xi32>
      %broadcast_in_dim3A_726 = arith.constant true
      %broadcast_in_dim3A_727 = vector.broadcast %broadcast_in_dim3A_726 : i1 to vector<16xi1>
      %masked_cummax3A_728 = arith.constant -2147483648 : i32
      %masked_cummax3A_729 = vector.broadcast %masked_cummax3A_728 : i32 to vector<16xi32>
      %masked_cummax3A_730 = arith.xori %neg3A_725, %masked_cummax3A_729 : vector<16xi32>
      %masked_cummax3A_731 = tpu.scan <max>, %masked_cummax3A_730 masked %broadcast_in_dim3A_727 : vector<16xi32>, vector<16xi1> -> vector<16xi32>
      %masked_cummax3A_732 = arith.xori %masked_cummax3A_731, %masked_cummax3A_729 : vector<16xi32>
      %neg3A_733 = arith.constant 0 : i32
      %neg3A_734 = vector.broadcast %neg3A_733 : i32 to vector<16xi32>
      %neg3A_735 = arith.subi %neg3A_734, %masked_cummax3A_732 : vector<16xi32>
      %eq3A_736 = arith.constant 14 : i32
      %eq3A_737 = vector.broadcast %eq3A_736 : i32 to vector<16xi32>
      %eq3A_738 = arith.cmpi eq, %iota3A, %eq3A_737 : vector<16xi32>
      %slice3A_739 = vector.extract_strided_slice %neg3A_735 {offsets = [15], sizes = [1], strides = [1]} : vector<16xi32> to vector<1xi32>
      %squeeze3A_740 = vector.extract %slice3A_739[0] : i32 from vector<1xi32>
      %broadcast_in_dim3A_741 = vector.broadcast %squeeze3A_740 : i32 to vector<16xi32>
      %select_n3A_742 = arith.select %eq3A_738, %broadcast_in_dim3A_741, %select_n3A_707 : vector<16xi1>, vector<16xi32>
      %neg3A_743 = arith.constant 0.000000e+00 : f32
      %neg3A_744 = vector.broadcast %neg3A_743 : f32 to vector<16xf32>
      %neg3A_745 = arith.subf %neg3A_744, %scan3A_496#7 : vector<16xf32>
      %broadcast_in_dim3A_746 = arith.constant true
      %broadcast_in_dim3A_747 = vector.broadcast %broadcast_in_dim3A_746 : i1 to vector<16xi1>
      %masked_cummax3A_748 = tpu.scan <max>, %neg3A_745 masked %broadcast_in_dim3A_747 : vector<16xf32>, vector<16xi1> -> vector<16xf32>
      %neg3A_749 = arith.constant 0.000000e+00 : f32
      %neg3A_750 = vector.broadcast %neg3A_749 : f32 to vector<16xf32>
      %neg3A_751 = arith.subf %neg3A_750, %masked_cummax3A_748 : vector<16xf32>
      %slice3A_752 = vector.extract_strided_slice %neg3A_751 {offsets = [15], sizes = [1], strides = [1]} : vector<16xf32> to vector<1xf32>
      %squeeze3A_753 = vector.extract %slice3A_752[0] : f32 from vector<1xf32>
      %eq3A_754 = vector.broadcast %squeeze3A_753 : f32 to vector<16xf32>
      %eq3A_755 = arith.cmpf oeq, %scan3A_496#7, %eq3A_754 : vector<16xf32>
      %broadcast_in_dim3A_756 = vector.broadcast %scan3A_45 : i32 to vector<16xi32>
      %select_n3A_757 = arith.select %eq3A_755, %scan3A_496#15, %broadcast_in_dim3A_756 : vector<16xi1>, vector<16xi32>
      %neg3A_758 = arith.constant 0 : i32
      %neg3A_759 = vector.broadcast %neg3A_758 : i32 to vector<16xi32>
      %neg3A_760 = arith.subi %neg3A_759, %select_n3A_757 : vector<16xi32>
      %broadcast_in_dim3A_761 = arith.constant true
      %broadcast_in_dim3A_762 = vector.broadcast %broadcast_in_dim3A_761 : i1 to vector<16xi1>
      %masked_cummax3A_763 = arith.constant -2147483648 : i32
      %masked_cummax3A_764 = vector.broadcast %masked_cummax3A_763 : i32 to vector<16xi32>
      %masked_cummax3A_765 = arith.xori %neg3A_760, %masked_cummax3A_764 : vector<16xi32>
      %masked_cummax3A_766 = tpu.scan <max>, %masked_cummax3A_765 masked %broadcast_in_dim3A_762 : vector<16xi32>, vector<16xi1> -> vector<16xi32>
      %masked_cummax3A_767 = arith.xori %masked_cummax3A_766, %masked_cummax3A_764 : vector<16xi32>
      %neg3A_768 = arith.constant 0 : i32
      %neg3A_769 = vector.broadcast %neg3A_768 : i32 to vector<16xi32>
      %neg3A_770 = arith.subi %neg3A_769, %masked_cummax3A_767 : vector<16xi32>
      %eq3A_771 = arith.constant 15 : i32
      %eq3A_772 = vector.broadcast %eq3A_771 : i32 to vector<16xi32>
      %eq3A_773 = arith.cmpi eq, %iota3A, %eq3A_772 : vector<16xi32>
      %slice3A_774 = vector.extract_strided_slice %neg3A_770 {offsets = [15], sizes = [1], strides = [1]} : vector<16xi32> to vector<1xi32>
      %squeeze3A_775 = vector.extract %slice3A_774[0] : i32 from vector<1xi32>
      %broadcast_in_dim3A_776 = vector.broadcast %squeeze3A_775 : i32 to vector<16xi32>
      %select_n3A_777 = arith.select %eq3A_773, %broadcast_in_dim3A_776, %select_n3A_742 : vector<16xi1>, vector<16xi32>
      %gather3A = tpu.vector_load_idx %arg6[%select_n3A_777] : memref<8192xf32, #tpu.memory_space<vmem>>[vector<16xi32>], vector<16xf32>,
      %gather3A_778 = tpu.vector_load_idx %arg7[%select_n3A_777] : memref<8192xf32, #tpu.memory_space<vmem>>[vector<16xi32>], vector<16xf32>,
      %gather3A_779 = tpu.vector_load_idx %arg8[%select_n3A_777] : memref<8192xf32, #tpu.memory_space<vmem>>[vector<16xi32>], vector<16xf32>,
      %sub3A_780 = arith.subf %get3A_57, %gather3A : vector<16xf32>
      %sub3A_781 = arith.subf %get3A_59, %gather3A_778 : vector<16xf32>
      %sub3A_782 = arith.subf %get3A_61, %gather3A_779 : vector<16xf32>
      %mul3A_783 = arith.mulf %sub3A_780, %sub3A_780 : vector<16xf32>
      %mul3A_784 = arith.mulf %sub3A_781, %sub3A_781 : vector<16xf32>
      %add3A_785 = arith.addf %mul3A_783, %mul3A_784 : vector<16xf32>
      %mul3A_786 = arith.mulf %sub3A_782, %sub3A_782 : vector<16xf32>
      %add3A_787 = arith.addf %add3A_785, %mul3A_786 : vector<16xf32>
      %add3A_788 = arith.addf %scan3A_54, %add3A_787 : vector<16xf32>
      scf.yield %add3A_788 : vector<16xf32>
    }
    %scan3A_51 = arith.constant 32 : i32
    %swap3A = arith.constant 0 : index
    %swap3A_52 = tpu.vector_load %arg16[%swap3A] {strides = array<i32>} : memref<16xf32, #tpu.memory_space<vmem>>, vector<16xf32>,
    tpu.vector_store %arg16[%swap3A], %scan3A_50 {strides = array<i32>} : memref<16xf32, #tpu.memory_space<vmem>>, vector<16xf32>,
    "tpu.region"() ({
      %run_scoped3A = tpu.sem_alloc : memref<!tpu.dma_semaphore, #tpu.memory_space<semaphore_mem>>
      %dma_start3A = arith.constant 0 : i32
      %dma_start3A_53 = tpu.memref_slice %arg5[%add3A, %dma_start3A] : memref<32x16xf32, #tpu.memory_space<hbm>> -> memref<1x16xf32, #tpu.memory_space<hbm>>
      %dma_start3A_54 = tpu.memref_squeeze %dma_start3A_53 : memref<1x16xf32, #tpu.memory_space<hbm>> -> memref<16xf32, #tpu.memory_space<hbm>>
      %dma_start3A_55 = arith.constant 0 : i32
      %dma_start3A_56 = tpu.memref_slice %arg5[%add3A, %dma_start3A_55] : memref<32x16xf32, #tpu.memory_space<hbm>> -> memref<1x16xf32, #tpu.memory_space<hbm>>
      %dma_start3A_57 = tpu.memref_squeeze %dma_start3A_56 : memref<1x16xf32, #tpu.memory_space<hbm>> -> memref<16xf32, #tpu.memory_space<hbm>>
      tpu.enqueue_dma source(%arg16 : memref<16xf32, #tpu.memory_space<vmem>>) target(%dma_start3A_57 : memref<16xf32, #tpu.memory_space<hbm>>) target_semaphore(%run_scoped3A : memref<!tpu.dma_semaphore, #tpu.memory_space<semaphore_mem>>)
      %dma_wait3A = arith.constant 0 : i32
      %dma_wait3A_58 = tpu.memref_slice %arg5[%add3A, %dma_wait3A] : memref<32x16xf32, #tpu.memory_space<hbm>> -> memref<1x16xf32, #tpu.memory_space<hbm>>
      %dma_wait3A_59 = tpu.memref_squeeze %dma_wait3A_58 : memref<1x16xf32, #tpu.memory_space<hbm>> -> memref<16xf32, #tpu.memory_space<hbm>>
      %dma_wait3A_60 = arith.constant 0 : i32
      %dma_wait3A_61 = tpu.memref_slice %arg5[%add3A, %dma_wait3A_60] : memref<32x16xf32, #tpu.memory_space<hbm>> -> memref<1x16xf32, #tpu.memory_space<hbm>>
      %dma_wait3A_62 = tpu.memref_squeeze %dma_wait3A_61 : memref<1x16xf32, #tpu.memory_space<hbm>> -> memref<16xf32, #tpu.memory_space<hbm>>
      tpu.wait_dma2 semaphore(%run_scoped3A : memref<!tpu.dma_semaphore, #tpu.memory_space<semaphore_mem>>) src(%arg16 : memref<16xf32, #tpu.memory_space<vmem>>) dst(%dma_wait3A_62 : memref<16xf32, #tpu.memory_space<hbm>>)
      tpu.yield
    }) : () -> ()
    return
  }
}

module attributes {stable_mosaic.version = 14 : i64} {
  func.func @_tc_body(%arg0: i32, %arg1: memref<8x256xf32, #tpu.memory_space<vmem>>, %arg2: memref<8x256xbf16, #tpu.memory_space<vmem>>, %arg3: memref<1x8x8192xf32, #tpu.memory_space<vmem>>, %arg4: memref<1x8x8192xbf16, #tpu.memory_space<vmem>>, %arg5: memref<1x128xf32, #tpu.memory_space<vmem>>) attributes {dimension_semantics = [#tpu.dimension_semantics<arbitrary>], iteration_bounds = array<i64: 64>, scalar_prefetch = 0 : i64, scratch_operands = 0 : i64, tpu.core_type = #tpu.core_type<tc>, window_params = [{transform_indices = @transform_0, window_bounds = array<i64: 8, 256>}, {transform_indices = @transform_1, window_bounds = array<i64: 8, 256>}, {transform_indices = @transform_2, window_bounds = array<i64: 1, 8, 8192>}, {transform_indices = @transform_3, window_bounds = array<i64: 1, 8, 8192>}, {pipeline_mode = #tpu.pipeline_mode<synchronous>, transform_indices = @transform_4, window_bounds = array<i64: 1, 128>}]} {
    %get3A = arith.constant 0 : index
    %get3A_0 = arith.constant 0 : index
    %get3A_1 = vector.load %arg1[%get3A, %get3A_0] : memref<8x256xf32, #tpu.memory_space<vmem>>, vector<8x256xf32>
    %get3A_2 = arith.constant 0 : index
    %get3A_3 = arith.constant 0 : index
    %get3A_4 = vector.load %arg2[%get3A_2, %get3A_3] : memref<8x256xbf16, #tpu.memory_space<vmem>>, vector<8x256xbf16>
    %get3A_5 = arith.constant 0 : index
    %get3A_6 = arith.constant 0 : index
    %get3A_7 = arith.constant 0 : index
    %get3A_8 = vector.load %arg3[%get3A_5, %get3A_6, %get3A_7] : memref<1x8x8192xf32, #tpu.memory_space<vmem>>, vector<1x8x8192xf32>
    %get3A_9 = vector.shape_cast %get3A_8 : vector<1x8x8192xf32> to vector<8x8192xf32>
    %get3A_10 = arith.constant 0 : index
    %get3A_11 = arith.constant 0 : index
    %get3A_12 = arith.constant 0 : index
    %get3A_13 = vector.load %arg4[%get3A_10, %get3A_11, %get3A_12] : memref<1x8x8192xbf16, #tpu.memory_space<vmem>>, vector<1x8x8192xbf16>
    %get3A_14 = vector.shape_cast %get3A_13 : vector<1x8x8192xbf16> to vector<8x8192xbf16>
    %mul3A = arith.mulf %get3A_1, %get3A_1 : vector<8x256xf32>
    %reduce_sum3A = arith.constant dense<0.000000e+00> : vector<256xf32>
    %reduce_sum3A_15 = vector.multi_reduction <add>, %mul3A, %reduce_sum3A [0] : vector<8x256xf32> to vector<256xf32>
    %mul3A_16 = arith.mulf %get3A_9, %get3A_9 : vector<8x8192xf32>
    %reduce_sum3A_17 = arith.constant dense<0.000000e+00> : vector<8192xf32>
    %reduce_sum3A_18 = vector.multi_reduction <add>, %mul3A_16, %reduce_sum3A_17 [0] : vector<8x8192xf32> to vector<8192xf32>
    %dot_general3A = arith.constant dense<0.000000e+00> : vector<256x8192xf32>
    %dot_general3A_19 = tpu.matmul %get3A_4, %get3A_14, %dot_general3A {dimension_numbers = #tpu.dot_dimension_numbers<[0], [0], [1], [1], [0, 1, 1, 1], [], []>, transpose_lhs_hint = false} : vector<8x256xbf16>, vector<8x8192xbf16>, vector<256x8192xf32> -> vector<256x8192xf32>
    %broadcast_in_dim3A = vector.shape_cast %reduce_sum3A_18 : vector<8192xf32> to vector<1x8192xf32>
    %mul3A_20 = arith.constant 2.000000e+00 : f32
    %mul3A_21 = vector.broadcast %mul3A_20 : f32 to vector<256x8192xf32>
    %mul3A_22 = arith.mulf %mul3A_21, %dot_general3A_19 : vector<256x8192xf32>
    %sub3A = vector.broadcast %broadcast_in_dim3A : vector<1x8192xf32> to vector<256x8192xf32>
    %sub3A_23 = arith.subf %sub3A, %mul3A_22 : vector<256x8192xf32>
    %dot_general3A_24 = arith.constant dense<0.000000e+00> : vector<256x8192xf32>
    %dot_general3A_25 = tpu.matmul %get3A_1, %get3A_9, %dot_general3A_24 {dimension_numbers = #tpu.dot_dimension_numbers<[0], [0], [1], [1], [0, 1, 1, 1], [], []>, precision = #tpu.contract_precision<fp32>, transpose_lhs_hint = false} : vector<8x256xf32>, vector<8x8192xf32>, vector<256x8192xf32> -> vector<256x8192xf32>
    %broadcast_in_dim3A_26 = vector.shape_cast %reduce_sum3A_15 : vector<256xf32> to vector<256x1xf32>
    %broadcast_in_dim3A_27 = vector.shape_cast %reduce_sum3A_18 : vector<8192xf32> to vector<1x8192xf32>
    %add3A = vector.broadcast %broadcast_in_dim3A_26 : vector<256x1xf32> to vector<256x8192xf32>
    %add3A_28 = vector.broadcast %broadcast_in_dim3A_27 : vector<1x8192xf32> to vector<256x8192xf32>
    %add3A_29 = arith.addf %add3A, %add3A_28 : vector<256x8192xf32>
    %mul3A_30 = arith.constant 2.000000e+00 : f32
    %mul3A_31 = vector.broadcast %mul3A_30 : f32 to vector<256x8192xf32>
    %mul3A_32 = arith.mulf %mul3A_31, %dot_general3A_25 : vector<256x8192xf32>
    %sub3A_33 = arith.subf %add3A_29, %mul3A_32 : vector<256x8192xf32>
    %reduce_min3A = arith.constant dense<0x7F800000> : vector<256xf32>
    %reduce_min3A_34 = vector.multi_reduction <minimumf>, %sub3A_23, %reduce_min3A [1] : vector<256x8192xf32> to vector<256xf32>
    %broadcast_in_dim3A_35 = vector.shape_cast %reduce_min3A_34 : vector<256xf32> to vector<256x1xf32>
    %eq3A = vector.broadcast %broadcast_in_dim3A_35 : vector<256x1xf32> to vector<256x8192xf32>
    %eq3A_36 = arith.cmpf oeq, %sub3A_23, %eq3A : vector<256x8192xf32>
    %jit3A = arith.constant 3.000000e+38 : f32
    %broadcast_in_dim3A_37 = vector.broadcast %jit3A : f32 to vector<256x8192xf32>
    %select_n3A = arith.select %eq3A_36, %sub3A_33, %broadcast_in_dim3A_37 : vector<256x8192xi1>, vector<256x8192xf32>
    %reduce_min3A_38 = arith.constant dense<0x7F800000> : vector<256xf32>
    %reduce_min3A_39 = vector.multi_reduction <minimumf>, %select_n3A, %reduce_min3A_38 [1] : vector<256x8192xf32> to vector<256xf32>
    %reshape3A = vector.shape_cast %reduce_min3A_39 : vector<256xf32> to vector<2x128xf32>
    %eq3A_40 = arith.constant 0 : i32
    %eq3A_41 = arith.cmpi eq, %arg0, %eq3A_40 : i32
    %convert_element_type3A = arith.extui %eq3A_41 : i1 to i32
    %cond3A = arith.constant 0 : i32
    %cond3A_42 = arith.cmpi ne, %convert_element_type3A, %cond3A : i32
    scf.if %cond3A_42 {
      %broadcast_in_dim3A_52 = arith.constant 0.000000e+00 : f32
      %broadcast_in_dim3A_53 = vector.broadcast %broadcast_in_dim3A_52 : f32 to vector<1x128xf32>
      %swap3A_54 = arith.constant 0 : index
      %swap3A_55 = arith.constant 0 : index
      %swap3A_56 = vector.load %arg5[%swap3A_54, %swap3A_55] : memref<1x128xf32, #tpu.memory_space<vmem>>, vector<1x128xf32>
      tpu.vector_store %arg5[%swap3A_54, %swap3A_55], %broadcast_in_dim3A_53 {strides = array<i32>} : memref<1x128xf32, #tpu.memory_space<vmem>>, vector<1x128xf32>,
    } else {
    }
    %get3A_43 = arith.constant 0 : index
    %get3A_44 = arith.constant 0 : index
    %get3A_45 = vector.load %arg5[%get3A_43, %get3A_44] : memref<1x128xf32, #tpu.memory_space<vmem>>, vector<1x128xf32>
    %reduce_sum3A_46 = arith.constant dense<0.000000e+00> : vector<128xf32>
    %reduce_sum3A_47 = vector.multi_reduction <add>, %reshape3A, %reduce_sum3A_46 [0] : vector<2x128xf32> to vector<128xf32>
    %broadcast_in_dim3A_48 = vector.shape_cast %reduce_sum3A_47 : vector<128xf32> to vector<1x128xf32>
    %add3A_49 = arith.addf %get3A_45, %broadcast_in_dim3A_48 : vector<1x128xf32>
    %swap3A = arith.constant 0 : index
    %swap3A_50 = arith.constant 0 : index
    %swap3A_51 = vector.load %arg5[%swap3A, %swap3A_50] : memref<1x128xf32, #tpu.memory_space<vmem>>, vector<1x128xf32>
    tpu.vector_store %arg5[%swap3A, %swap3A_50], %add3A_49 {strides = array<i32>} : memref<1x128xf32, #tpu.memory_space<vmem>>, vector<1x128xf32>,
    return
  }
  func.func @transform_0(%arg0: i32) -> (i32, i32) {
    %c0_i32 = arith.constant 0 : i32
    %c0_i32_0 = arith.constant 0 : i32
    return %c0_i32, %arg0 : i32, i32
  }
  func.func @transform_1(%arg0: i32) -> (i32, i32) {
    %c0_i32 = arith.constant 0 : i32
    %c0_i32_0 = arith.constant 0 : i32
    return %c0_i32, %arg0 : i32, i32
  }
  func.func @transform_2(%arg0: i32) -> (i32, i32, i32) {
    %mul3A = arith.constant 256 : i32
    %mul3A_0 = arith.muli %arg0, %mul3A : i32
    %jit3A = arith.constant 8192 : i32
    %div3A = arith.divsi %mul3A_0, %jit3A : i32
    %sign3A = arith.constant 0 : i32
    %sign3A_1 = arith.cmpi sgt, %mul3A_0, %sign3A : i32
    %sign3A_2 = arith.extui %sign3A_1 : i1 to i32
    %sign3A_3 = arith.constant 0 : i32
    %sign3A_4 = arith.cmpi slt, %mul3A_0, %sign3A_3 : i32
    %sign3A_5 = arith.extui %sign3A_4 : i1 to i32
    %sign3A_6 = arith.subi %sign3A_2, %sign3A_5 : i32
    %sign3A_7 = arith.constant 0 : i32
    %sign3A_8 = arith.cmpi sgt, %jit3A, %sign3A_7 : i32
    %sign3A_9 = arith.extui %sign3A_8 : i1 to i32
    %sign3A_10 = arith.constant 0 : i32
    %sign3A_11 = arith.cmpi slt, %jit3A, %sign3A_10 : i32
    %sign3A_12 = arith.extui %sign3A_11 : i1 to i32
    %sign3A_13 = arith.subi %sign3A_9, %sign3A_12 : i32
    %ne3A = arith.cmpi ne, %sign3A_6, %sign3A_13 : i32
    %rem3A = arith.remsi %mul3A_0, %jit3A : i32
    %ne3A_14 = arith.constant 0 : i32
    %ne3A_15 = arith.cmpi ne, %rem3A, %ne3A_14 : i32
    %and3A = arith.andi %ne3A, %ne3A_15 : i1
    %sub3A = arith.constant 1 : i32
    %sub3A_16 = arith.subi %div3A, %sub3A : i32
    %select_n3A = arith.select %and3A, %sub3A_16, %div3A : i32
    %c0_i32 = arith.constant 0 : i32
    %c0_i32_17 = arith.constant 0 : i32
    %c0_i32_18 = arith.constant 0 : i32
    return %select_n3A, %c0_i32, %c0_i32_17 : i32, i32, i32
  }
  func.func @transform_3(%arg0: i32) -> (i32, i32, i32) {
    %mul3A = arith.constant 256 : i32
    %mul3A_0 = arith.muli %arg0, %mul3A : i32
    %jit3A = arith.constant 8192 : i32
    %div3A = arith.divsi %mul3A_0, %jit3A : i32
    %sign3A = arith.constant 0 : i32
    %sign3A_1 = arith.cmpi sgt, %mul3A_0, %sign3A : i32
    %sign3A_2 = arith.extui %sign3A_1 : i1 to i32
    %sign3A_3 = arith.constant 0 : i32
    %sign3A_4 = arith.cmpi slt, %mul3A_0, %sign3A_3 : i32
    %sign3A_5 = arith.extui %sign3A_4 : i1 to i32
    %sign3A_6 = arith.subi %sign3A_2, %sign3A_5 : i32
    %sign3A_7 = arith.constant 0 : i32
    %sign3A_8 = arith.cmpi sgt, %jit3A, %sign3A_7 : i32
    %sign3A_9 = arith.extui %sign3A_8 : i1 to i32
    %sign3A_10 = arith.constant 0 : i32
    %sign3A_11 = arith.cmpi slt, %jit3A, %sign3A_10 : i32
    %sign3A_12 = arith.extui %sign3A_11 : i1 to i32
    %sign3A_13 = arith.subi %sign3A_9, %sign3A_12 : i32
    %ne3A = arith.cmpi ne, %sign3A_6, %sign3A_13 : i32
    %rem3A = arith.remsi %mul3A_0, %jit3A : i32
    %ne3A_14 = arith.constant 0 : i32
    %ne3A_15 = arith.cmpi ne, %rem3A, %ne3A_14 : i32
    %and3A = arith.andi %ne3A, %ne3A_15 : i1
    %sub3A = arith.constant 1 : i32
    %sub3A_16 = arith.subi %div3A, %sub3A : i32
    %select_n3A = arith.select %and3A, %sub3A_16, %div3A : i32
    %c0_i32 = arith.constant 0 : i32
    %c0_i32_17 = arith.constant 0 : i32
    %c0_i32_18 = arith.constant 0 : i32
    return %select_n3A, %c0_i32, %c0_i32_17 : i32, i32, i32
  }
  func.func @transform_4(%arg0: i32) -> (i32, i32) {
    %c0_i32 = arith.constant 0 : i32
    %c0_i32_0 = arith.constant 0 : i32
    %c0_i32_1 = arith.constant 0 : i32
    return %c0_i32, %c0_i32_0 : i32, i32
  }
}

</mosaic_0001>

<sc_bundles>
// kernel: kernel.4.cloned.1.call-start
scs
__scs_entry_jumppad:
0x0: {  	(pc) =	sbr.rel $0x88, $3  }
0x1: {  	(tag) =	ssettag $0x0;
	lr =	simm.s32 $0x1  }
0x2: {  	[smem:$0x3F9F] =	sst lr;
	_ =	strace $0xD0000000  }
0x3: {  	_ = 	snop  }
0x4: {  	_ = 	snop  }
0x5: {  	_ = 	snop  }
0x6: {  	_ = 	snop  }
0x7: {  	_ = 	snop  }
__scs_overlays_trampoline_lowered:
0x8: {  	[smem:$0x3FAE] =	sst s0  }
0x9: {  	[smem:$0x3FAF] =	sst s1  }
0xa: {  	[smem:$0x3FB0] =	sst s2  }
0xb: {  	[smem:$0x3FB1] =	sst s3  }
0xc: {  	[smem:$0x3FB2] =	sst s4  }
0xd: {  	[smem:$0x3FB3] =	sst s5  }
0xe: {  	[smem:$0x3FB4] =	sst s6  }
0xf: {  	[smem:$0x3FB5] =	sst s7  }
0x10: {  	[smem:$0x3FB6] =	sst s8  }
0x11: {  	[smem:$0x3FB7] =	sst s9;
	s0 =	simm.s32 @!p0 $0x0  }
0x12: {  	s1 =	sld [smem:$0x3F9D];
	s0 =	simm.s32 @p0 $0x1  }
0x13: {  	[smem:$0x3FB8] =	sst s0;
	s0 =	simm.s32 @!p1 $0x0  }
0x14: {  	s2 =	sld [smem:$0x3F9C];
	s0 =	simm.s32 @p1 $0x1  }
0x15: {  	[smem:$0x3FB9] =	sst s0;
	s0 =	simm.s32 @!p2 $0x0  }
0x16: {  	s3 =	sld [smem:$0x3FDB];
	s0 =	simm.s32 @p2 $0x1  }
0x17: {  	s4 =	simm.s32 $0x1BF5;
	[smem:$0x3FBB] =	sst s0  }
0x18: {  	s0 =	sld [smem:$0x3F9E];
	_ =	swait.ge [sflag:s4], $0x0  }
0x19: {  	s7 =	sld [smem:$0x3F9F]  }
0x1a: {  	s8 =	sadd.s32 $0xFFFFE003, lr  }
0x1b: {  	s9 =	sadd.s32 $0xFFFFFEF7, lr;
	s5 =	simm.s32 $0xFFFFFFFF;
	p2 =	slt.u32 s8, $0xFFFFF086  }
0x1c: {  	p1 =	slt.u32 s9, $0xF7A;
	s5 =	simm.s32 @!p2 $0x0  }
0x1d: {  	s5 =	simm.s32 @p1 $0x1;
	p0 =	seq.s32 s7, s2  }
0x1e: {  	s7 =	smul.u32 @!p0 $0xF7A, s2;
	p2 =	seq.s32 @!p0 s5, $0x0  }
0x1f: {  	s9 =	smul.u32 $0xF7A, s1;
	s8 =	simm.s32 @!p0 $0x1BF5;
	p2 =	por !p2, p0  }
0x20: {  	[sflag:s8] =	ssyncset.s32 @!p0 $0xFFFFF086;
	s6 =	sadd.s32 @!p0 s3, s7;
	s7 =	simm.s32 @!p0 $0x108  }
0x21: {  	s3 =	sadd.s32 s3, s9;
	s6 =	sadd.s32 @!p0 $0x88, s6;
	s7 =	simm.s32 @p2 $0x1082  }
0x22: {  	[simem:s7], [sflag:s8] =	dma.local @!p0 [hbm:s6], $0xF7A  }
0x23: {  	s9 =	sor.u32 $0xD0000000, s2;
	s6 =	simm.s32 $0x108;
	_ =	swait.ge @!p0 [sflag:s8], $0x0  }
0x24: {  	s3 =	sadd.s32 $0x88, s3;
	s6 =	simm.s32 @!p1 $0x1082;
	[sflag:s4] =	ssyncset.s32 $0xFFFFF086  }
0x25: {  	[simem:s6], [sflag:s4] =	dma.local [hbm:s3], $0xF7A  }
0x26: {  	[smem:$0x3F9F] =	sst s1;
	(tag) =	ssettag s2;
	_ =	strace s9  }
0x27: {  	s1 =	sld [smem:$0x3FAF]  }
0x28: {  	s2 =	sld [smem:$0x3FB0]  }
0x29: {  	s4 =	sld [smem:$0x3FB2]  }
0x2a: {  	p0 =	seq.s32 s5, $0x0;
	s5 =	sld [smem:$0x3FB3]  }
0x2b: {  	s6 =	sld [smem:$0x3FB4]  }
0x2c: {  	s7 =	sld [smem:$0x3FB5]  }
0x2d: {  	s3 =	simm.s32 $0x108;
	s8 =	sld [smem:$0x3FB6]  }
0x2e: {  	s3 =	simm.s32 @!p0 $0x1082;
	s9 =	sld [smem:$0x3FB7]  }
0x2f: {  	lr =	sadd.s32 s0, s3;
	s0 =	sld [smem:$0x3FAE]  }
0x30: {  	s3 =	sld [smem:$0x3FB1]  }
0x31: {  	[smem:$0x3FBA] =	sst s10  }
0x32: {  	s10 =	sld [smem:$0x3FB8];
	_ =	sdelay $0x3  }
0x33: {  	p0 =	seq.s32 s10, $0x1;
	s10 =	sld [smem:$0x3FBA];
	_ =	sdelay $0x3  }
0x34: {  	[smem:$0x3FBA] =	sst s10  }
0x35: {  	s10 =	sld [smem:$0x3FB9];
	_ =	sdelay $0x3  }
0x36: {  	p1 =	seq.s32 s10, $0x1;
	s10 =	sld [smem:$0x3FBA];
	_ =	sdelay $0x3  }
0x37: {  	[smem:$0x3FBA] =	sst s10  }
0x38: {  	s10 =	sld [smem:$0x3FBB]  }
0x39: {  	_ = 	snop;
	(pc) =	sbr.ind lr, $3  }
0x3a: {  	_ = 	snop  }
0x3b: {  	_ = 	snop  }
0x3c: {  	p2 =	seq.s32 s10, $0x1;
	s10 =	sld [smem:$0x3FBA]  }
0x3d: {  	_ =	shalt  }
0x3e: {  	_ =	shalt  }
0x3f: {  	_ =	shalt  }
0x40: {  	_ =	shalt  }
0x41: {  	_ =	shalt  }
0x42: {  	_ =	shalt  }
0x43: {  	_ =	shalt  }
0x44: {  	_ =	shalt  }
0x45: {  	_ =	shalt  }
0x46: {  	_ =	shalt  }
0x47: {  	_ =	shalt  }
0x48: {  	_ =	shalt  }
0x49: {  	_ =	shalt  }
0x4a: {  	_ =	shalt  }
0x4b: {  	_ =	shalt  }
0x4c: {  	_ =	shalt  }
0x4d: {  	_ =	shalt  }
0x4e: {  	_ =	shalt  }
0x4f: {  	_ =	shalt  }
0x50: {  	_ =	shalt  }
0x51: {  	_ =	shalt  }
0x52: {  	_ =	shalt  }
0x53: {  	_ =	shalt  }
0x54: {  	_ =	shalt  }
0x55: {  	_ =	shalt  }
0x56: {  	_ =	shalt  }
0x57: {  	_ =	shalt  }
0x58: {  	_ =	shalt  }
0x59: {  	_ =	shalt  }
0x5a: {  	_ =	shalt  }
0x5b: {  	_ =	shalt  }
0x5c: {  	_ =	shalt  }
0x5d: {  	_ =	shalt  }
0x5e: {  	_ =	shalt  }
0x5f: {  	_ =	shalt  }
0x60: {  	_ =	shalt  }
0x61: {  	_ =	shalt  }
0x62: {  	_ =	shalt  }
0x63: {  	_ =	shalt  }
0x64: {  	_ =	shalt  }
0x65: {  	_ =	shalt  }
0x66: {  	_ =	shalt  }
0x67: {  	_ =	shalt  }
0x68: {  	_ =	shalt  }
0x69: {  	_ =	shalt  }
0x6a: {  	_ =	shalt  }
0x6b: {  	_ =	shalt  }
0x6c: {  	_ =	shalt  }
0x6d: {  	_ =	shalt  }
0x6e: {  	_ =	shalt  }
0x6f: {  	_ =	shalt  }
0x70: {  	_ =	shalt  }
0x71: {  	_ =	shalt  }
0x72: {  	_ =	shalt  }
0x73: {  	_ =	shalt  }
0x74: {  	_ =	shalt  }
0x75: {  	_ =	shalt  }
0x76: {  	_ =	shalt  }
0x77: {  	_ =	shalt  }
0x78: {  	_ =	shalt  }
0x79: {  	_ =	shalt  }
0x7a: {  	_ =	shalt  }
0x7b: {  	_ =	shalt  }
0x7c: {  	_ =	shalt  }
0x7d: {  	_ =	shalt  }
0x7e: {  	_ =	shalt  }
0x7f: {  	_ =	shalt  }
0x80: {  	_ =	shalt  }
0x81: {  	_ =	shalt  }
0x82: {  	_ =	shalt  }
0x83: {  	_ =	shalt  }
0x84: {  	_ =	shalt  }
0x85: {  	_ =	shalt  }
0x86: {  	_ =	shalt  }
0x87: {  	_ =	shalt  }
.Lfunc_end0:
.L_simem_size_0:
called_computation_lowered:
.L_overlay_start_0:
0x88: {  	s2 =	sld [smem:$0x3FD9]  }
0x89: {  	s3 =	sld [smem:$0x3FFE];
	_ =	sdelay $0x1  }
0x8a: {  	s1 =	srdreg.scid  }
0x8b: {  	s0 =	sand.u32 $0x1, s1  }
0x8c: {  	s16 =	sshll.u32 s0, $0xA;
	s2 =	sadd.s32 s3, s2  }
0x8d: {  	s2 =	sadd.s32 s2, s16  }
0x8e: {  	[smem:$0x3FC6] =	sst s2  }
0x8f: {  	_ = 	snop  }
0x90: {  	(tm) =	ssettm $0x1  }
0x91: {  	s17 =	sld [smem:$0x3FFB];
	_ =	sdelay $0x3  }
0x92: {  	_ =	strace s17  }
0x93: {  	s2 =	sld [smem:$0x3FFC];
	_ =	sdelay $0x3  }
0x94: {  	_ =	strace s2  }
0x95: {  	s2 =	sld [smem:$0x3FFD];
	_ =	sdelay $0x3  }
0x96: {  	_ =	strace s2  }
0x97: {  	_ =	strace $0x8FFFFFFF  }
0x98: {  	s18 =	sld [smem:$0x3FDB];
	_ =	sdelay $0x1  }
0x99: {  	s19 =	simm.s32 $_scs_section_size  }
0x9a: {  	s4 =	simm.s32 $_size__tile_overlayer_lowered;
	s5 =	simm.s32 $_tile_overlayer_lowered  }
0x9b: {  	s22 =	simm.s32 $0x1BFF;
	s21 =	sshll.u32 s5, $0x1;
	s2 =	sadd.s32 s19, s18  }
0x9c: {  	s6 =	simm.s32 $0x0;
	s20 =	sshll.u32 s4, $0x1;
	s4 =	sadd.s32 s21, s2  }
0x9d: {  	[timem:s6], [sflag:s22] =	dma.local [hbm:s4], s20  }
0x9e: {  	_ =	swait.ge [sflag:s22], s20  }
0x9f: {  	s3 =	ssub.s32 $0x0, s20;
	[sflag:s22] =	ssyncset.done $0x0  }
0xa0: {  	[sflag:s22] =	ssyncadd.s32 s3;
	_ =	sdelay $0x1  }
0xa1: {  	s23 =	simm.s32 $0x1B8B  }
0xa2: {  	_ =	swait.ge [sflag:s23], $0x1  }
0xa3: {  	[sflag:s23] =	ssyncset.done $0x0  }
0xa4: {  	s25 =	simm.s32 $0x1B8E;
	s24 =	sld [smem:$0x3FFE];
	[sflag:s23] =	ssyncadd.s32 $0xFFFFFFFF  }
0xa5: {  	s26 =	simm.s32 $execute0_lowered;
	[smem:$0x3FD2] =	sst s25  }
0xa6: {  	s4 =	sshll.u32 s26, $0x1;
	_ =	strace $0x80000046;
	[dreg:$0x1] =	wrdreg $0xFFFFFFFF  }
0xa7: {  	s28 =	simm.s32 $_size_execute0_lowered;
	s2 =	sadd.s32 s2, s4;
	[dreg:$0x0] =	wrdreg $0x0  }
0xa8: {  	s4 =	sshll.u32 s28, $0x1;
	[dreg:$0x2] =	wrdreg s2  }
0xa9: {  	[dreg:$0x3] =	wrdreg s4  }
0xaa: {  	[dreg:$0x4] =	wrdreg $0xC0  }
0xab: {  	_ =	task [dreg:s6], $0x5FFFF  }
0xac: {  	[dreg:$0x1] =	wrdreg $0xFFFFFFFF  }
0xad: {  	[dreg:$0x0] =	wrdreg $0x60  }
0xae: {  	[dreg:$0x2] =	wrdreg s24  }
0xaf: {  	[dreg:$0x3] =	wrdreg $0x9  }
0xb0: {  	_ =	task.clear_ibuf [dreg:s6], $0x4FFFF;
	_ =	strace $0x90000046  }
0xb1: {  	s29 =	simm.s32 $0x9;
	_ =	strace $0x80000048  }
0xb2: {  	_ =	swait.ge [sflag:s29], $0x1  }
0xb3: {  	[sflag:s29] =	ssyncadd.s32 $0xFFFFFFFF  }
0xb4: {  	_ =	strace $0x90000048  }
0xb5: {  	_ =	sfence  }
0xb6: {  	s30 =	sld [smem:$0x0];
	_ =	sdelay $0x2  }
0xb7: {  	s31 =	sshll.u32 s1, $0xD;
	s1 =	sshrl.u32 s1, $0x2  }
0xb8: {  	s3 =	sand.u32 $0x4000, s31;
	s1 =	sadd.s32 s1, s30  }
0xb9: {  	s0 =	sor.u32 s3, s0;
	s1 =	sshll.u32 s1, $0x11  }
0xba: {  	s0 =	sor.u32 s1, s0  }
0xbb: {  	s0 =	sadd.s32 $0x8F2B, s0  }
0xbc: {  	[sflag:s0] =	ssyncadd.remote.s32 $0x1  }
0xbd: {  	_ =	sfence.sel $0xFFFF  }
0xbe: {  	[dreg:$0x0] =	wrdreg $0xFFFFFFFF;
	(pc) =	sbr.abs _section_cstart, $3  }
0xbf: {  	[dreg:$0x1] =	wrdreg $0xFFFFFFFF  }
0xc0: {  	_ =	task.clear_ibuf [dreg:s6], $0x2FFFF;
	_ =	strace $0x9FFFFFFF  }
0xc1: {  	(tm) =	ssettm $0x7FFFFFFF  }
tec
execute0_lowered:
.L_overlay_start_1:
0x0: {  	(tag) =	ssettag $0x1  }
0x1: {  	s0 =	rddreg [dreg:$0x0]  }
0x2: {  	s2 =	simm.s32 $0x0;
	s1 =	srdreg.scid;
	s3 =	stileid.u32  }
0x3: {  	s11 =	simm.s32 $0x80;
	s12 =	simm.s32 $0x200;
	s13 =	simm.s32 $0x1  }
0x4: {  	s14 =	simm.s32 $0x2000;
	s15 =	simm.s32 $0x4000;
	s20 =	simm.s32 $0x0  }
0x5: {  	[smem:$0x7FF] =	sst s2;
	s1 =	sand.u32 $0x1, s1;
	s4 =	sshll.u32 s3, $0x1  }
0x6: {  	s6 =	sadd.s32 $0x1600, s0;
	s7 =	sadd.s32 $0x2600, s0;
	s8 =	sadd.s32 $0x600, s0  }
0x7: {  	_ =	strace $0x80000047;
	s3 =	sor.u32 s1, s4;
	s1 =	ssub.s32 $0x2, s1  }
0x8: {  	s29 =	sand.u32 $0x10, s4;
	s5 =	sshll.u32 s3, $0x4;
	s9 =	sshrl.u32 s1, $0x1  }
0x9: {  	s10 =	sshll.u32 s3, $0x8;
	s0 =	sadd.s32 s5, s0;
	s5 =	sor.u32 $0x20, s29  }
0xa: {  	s1 =	ssub.s32 s1, s9;
	s31 =	sor.u32 s4, s10;
	s30 =	sadd.s32 s6, s5  }
0xb: {  	vm7 =	vcmask $0x1F1C;
	vm8 =	vcmask $0x2320;
	s4 =	sadd.s32 s7, s5;
	s5 =	sadd.s32 s8, s5;
	s9 =	sand.u32 $0xF10, s31  }
0xc: {  	vm9 =	vcmask $0x2724;
	vm10 =	vcmask $0x2B28;
	vm11 =	vcmask $0x2F2C;
	s10 =	smax.u32 s1, $0x1;
	[dreg:$0x2] =	wrdreg s30;
	s6 =	sadd.s32 s6, s9  }
0xd: {  	vm12 =	vcmask $0x3330;
	vm13 =	vcmask $0x3734;
	vm14 =	vcmask $0x3B38;
	s7 =	sadd.s32 s7, s9;
	s8 =	sadd.s32 s8, s9;
	s9 =	sadd.s32 $0x3600, s0  }
.LBB2_1:
0xe: {  	s0 =	rddreg [dreg:$0x2]  }
0xf: {  	[tilespmem:s2], [sflag:$0x1] =	stream.strided.gather [hbm4b:s0+s11], $0x2000, s12, s11, $0x38;
	[tilespmem:$0xE680] =	vst v63  }
0x10: {  	_ =	swait.ge [sflag:s13], $0x2000  }
0x11: {  	[sflag:s13] =	ssyncset.done $0x0  }
0x12: {  	[sflag:s13] =	ssyncadd.s32 $0xFFFFE000  }
0x13: {  	[tilespmem:s14], [sflag:$0x1] =	stream.strided.gather [hbm4b:s4+s11], $0x2000, s12, s11, $0x38;
	[tilespmem:$0xE680] =	vst v63  }
0x14: {  	_ =	swait.ge [sflag:s13], $0x2000  }
0x15: {  	[sflag:s13] =	ssyncset.done $0x0  }
0x16: {  	[sflag:s13] =	ssyncadd.s32 $0xFFFFE000  }
0x17: {  	[tilespmem:s15], [sflag:$0x1] =	stream.strided.gather [hbm4b:s5+s11], $0x2000, s12, s11, $0x38;
	[tilespmem:$0xE680] =	vst v63  }
0x18: {  	_ =	swait.ge [sflag:s13], $0x2000  }
0x19: {  	[sflag:s13] =	ssyncset.done $0x0  }
0x1a: {  	s29 =	simm.s32 $0xE000;
	[sflag:s13] =	ssyncadd.s32 $0xFFFFE000  }
0x1b: {  	[tilespmem:s29], [sflag:$0x1] =	stream.strided.gather [hbm4b:s6+s11], $0x200, s12, s11, $0x38;
	[tilespmem:$0xE680] =	vst v63  }
0x1c: {  	_ =	swait.ge [sflag:s13], $0x200  }
0x1d: {  	[sflag:s13] =	ssyncset.done $0x0  }
0x1e: {  	s30 =	simm.s32 $0xE200;
	[sflag:s13] =	ssyncadd.s32 $0xFFFFFE00  }
0x1f: {  	[tilespmem:s30], [sflag:$0x1] =	stream.strided.gather [hbm4b:s7+s11], $0x200, s12, s11, $0x38;
	[tilespmem:$0xE680] =	vst v63  }
0x20: {  	_ =	swait.ge [sflag:s13], $0x200  }
0x21: {  	[sflag:s13] =	ssyncset.done $0x0  }
0x22: {  	s31 =	simm.s32 $0xE400;
	[sflag:s13] =	ssyncadd.s32 $0xFFFFFE00  }
0x23: {  	[tilespmem:s31], [sflag:$0x1] =	stream.strided.gather [hbm4b:s8+s11], $0x200, s12, s11, $0x38;
	[tilespmem:$0xE680] =	vst v63  }
0x24: {  	_ =	swait.ge [sflag:s13], $0x200  }
0x25: {  	[sflag:s13] =	ssyncset.done $0x0  }
0x26: {  	s1 =	simm.s32 $0x0;
	[sflag:s13] =	ssyncadd.s32 $0xFFFFFE00  }
0x27: {  	v0 =	vld [tilespmem:s1+$0x0]  }
0x28: {  	v1 =	vld [tilespmem:s1+$0x2000]  }
0x29: {  	v4 =	vld [tilespmem:s1+$0x4000];
	_ =	sdelay $0x3  }
0x2a: {  	s0 =	simm.s32 $0x10;
	v3 =	vmul.f32 v0, v0;
	v5 =	vmul.f32 v1, v1;
	v6 =	vshrl.u32 v0, $0x10  }
0x2b: {  	v2 =	vld [tilespmem:s0+$0x0];
	v7 =	vshrl.u32 v1, $0x10;
	v8 =	vmul.f32 v4, v4;
	v9 =	vshrl.u32 v4, $0x10  }
0x2c: {  	v6 =	vand.u32 $0x1, v6;
	v7 =	vand.u32 $0x1, v7;
	v5 =	vadd.f32 v5, v3;
	v3 =	vld [tilespmem:s0+$0x2000]  }
0x2d: {  	v6 =	vadd.s32 v6, v0;
	v1 =	vadd.s32 v7, v1;
	v7 =	vand.u32 $0x1, v9  }
0x2e: {  	v0 =	vld [tilespmem:s0+$0x4000];
	v6 =	vadd.s32 $0x7FFF, v6;
	v4 =	vadd.s32 v7, v4  }
0x2f: {  	v1 =	vadd.s32 $0x7FFF, v1;
	v5 =	vadd.f32 v8, v5;
	v6 =	vand.u32 $0xFFFF0000, v6  }
0x30: {  	v7 =	vshrl.u32 v2, $0x10;
	v4 =	vadd.s32 $0x7FFF, v4;
	v9 =	vand.u32 $0xFFFF0000, v1;
	[tilespmem:s1+$0x6000] =	vst v6  }
0x31: {  	s16 =	simm.s32 $0x20;
	[tilespmem:s1+$0xC000] =	vst v5;
	v5 =	vmul.f32 v2, v2;
	v6 =	vshrl.u32 v3, $0x10;
	v8 =	vmul.f32 v3, v3  }
0x32: {  	s17 =	simm.s32 $0xC0;
	v7 =	vand.u32 $0x1, v7;
	v4 =	vand.u32 $0xFFFF0000, v4;
	v1 =	vld [tilespmem:s16+$0x0];
	[tilespmem:s1+$0x8000] =	vst v9;
	v6 =	vand.u32 $0x1, v6  }
.LBB2_2:
0x33: {  	p0 =	sne.s32 s17, $0x7FC0;
	v9 =	vld [tilespmem:s16+$0x2000];
	v5 =	vadd.f32 v8, v5;
	v8 =	vmul.f32 v0, v0;
	v10 =	vshrl.u32 v0, $0x10;
	[tilespmem:s1+$0xA000] =	vst v4;
	s1 =	smov.u32 s0;
	s0 =	smov.u32 s16  }
0x34: {  	v2 =	vadd.s32 v7, v2;
	v3 =	vadd.s32 v6, v3;
	v4 =	vand.u32 $0x1, v10  }
.Ltmp0:
0x35: {  	v11 =	vadd.s32 $0x7FFF, v2;
	v5 =	vadd.f32 v8, v5;
	v4 =	vadd.s32 v4, v0;
	v0 =	vld [tilespmem:s0+$0x4000];
	(pc) =	sbr.rel @p0 .LBB2_2-.Ltmp0, $4  }
0x36: {  	v6 =	vand.u32 $0xFFFF0000, v11;
	v8 =	vadd.s32 $0x7FFF, v3;
	v12 =	vadd.s32 $0x7FFF, v4  }
0x37: {  	v10 =	vand.u32 $0xFFFF0000, v8;
	v7 =	vshrl.u32 v1, $0x10;
	[tilespmem:s1+$0xC000] =	vst v5;
	v4 =	vand.u32 $0xFFFF0000, v12;
	v2 =	vmovc v1  }
0x38: {  	s16 =	sshra.s32 s17, $0x2;
	v5 =	vmul.f32 v1, v2;
	v8 =	vmul.f32 v9, v9;
	v11 =	vshrl.u32 v9, $0x10;
	[tilespmem:s1+$0x6000] =	vst v6;
	v3 =	vmovc v9  }
0x39: {  	s17 =	sadd.s32 $0x40, s17;
	v7 =	vand.u32 $0x1, v7;
	v1 =	vld [tilespmem:s16+$0x0];
	v6 =	vand.u32 $0x1, v11;
	[tilespmem:s1+$0x8000] =	vst v10  }
0x3a: {  	v9 =	vld [tilespmem:s16+$0x2000];
	v5 =	vadd.f32 v8, v5;
	[tilespmem:s1+$0xA000] =	vst v4;
	v55 =	vmul.f32 v0, v0  }
0x3b: {  	v56 =	vshrl.u32 v0, $0x10;
	v2 =	vadd.s32 v7, v2;
	v3 =	vadd.s32 v6, v3;
	v57 =	vld [tilespmem:s16+$0x4000]  }
0x3c: {  	v58 =	vand.u32 $0x1, v56;
	v2 =	vadd.s32 $0x7FFF, v2;
	v3 =	vadd.s32 $0x7FFF, v3  }
0x3d: {  	v4 =	vadd.f32 v55, v5;
	v0 =	vadd.s32 v58, v0;
	v2 =	vand.u32 $0xFFFF0000, v2  }
0x3e: {  	v3 =	vand.u32 $0xFFFF0000, v3;
	v0 =	vadd.s32 $0x7FFF, v0;
	v59 =	vmul.f32 v1, v1  }
0x3f: {  	[tilespmem:s0+$0x6000] =	vst v2;
	v61 =	vshrl.u32 v1, $0x10;
	v0 =	vand.u32 $0xFFFF0000, v0;
	v60 =	vmul.f32 v9, v9  }
0x40: {  	[tilespmem:s0+$0x8000] =	vst v3;
	v62 =	vshrl.u32 v9, $0x10;
	v2 =	vand.u32 $0x1, v61;
	v63 =	vmul.f32 v57, v57  }
0x41: {  	[tilespmem:s0+$0xC000] =	vst v4;
	v4 =	vand.u32 $0x1, v62;
	v1 =	vadd.s32 v2, v1;
	v5 =	vadd.f32 v60, v59  }
0x42: {  	[tilespmem:s0+$0xA000] =	vst v0;
	v3 =	vshrl.u32 v57, $0x10;
	v0 =	vadd.s32 v4, v9;
	v1 =	vadd.s32 $0x7FFF, v1  }
0x43: {  	v3 =	vand.u32 $0x1, v3;
	v1 =	vand.u32 $0xFFFF0000, v1;
	v2 =	vadd.f32 v63, v5  }
0x44: {  	v3 =	vadd.s32 v3, v57;
	v0 =	vadd.s32 $0x7FFF, v0;
	[tilespmem:s16+$0x6000] =	vst v1  }
0x45: {  	v0 =	vand.u32 $0xFFFF0000, v0;
	[tilespmem:s16+$0xC000] =	vst v2;
	v2 =	vadd.s32 $0x7FFF, v3  }
0x46: {  	[tilespmem:s16+$0x8000] =	vst v0;
	v1 =	vand.u32 $0xFFFF0000, v2  }
0x47: {  	s21 =	simm.s32 $0x0;
	v0 =	vimm.f32 $0.0e+00;
	[tilespmem:s16+$0xA000] =	vst v1  }
.LBB2_4:
0x48: {  	s0 =	sshll.u32 s21, $0x4  }
0x49: {  	[tilespmem:$0x1FE10] =	vst v0;
	v0 =	vld [tilespmem:s0+$0xE000]  }
0x4a: {  	v4 =	vld [tilespmem:s0+$0xE200]  }
0x4b: {  	v5 =	vld [tilespmem:s0+$0xE400];
	_ =	sdelay $0x2  }
0x4c: {  	v1 =	vshrl.u32 v0, $0x10  }
0x4d: {  	v2 =	vshrl.u32 v4, $0x10;
	v1 =	vand.u32 $0x1, v1  }
0x4e: {  	v3 =	vshrl.u32 v5, $0x10;
	v2 =	vand.u32 $0x1, v2;
	v1 =	vadd.s32 v1, v0  }
0x4f: {  	v3 =	vand.u32 $0x1, v3;
	v2 =	vadd.s32 v2, v4;
	v1 =	vadd.s32 $0x7FFF, v1  }
0x50: {  	v3 =	vadd.s32 v3, v5;
	v2 =	vadd.s32 $0x7FFF, v2;
	v1 =	vand.u32 $0xFFFF0000, v1  }
0x51: {  	[tilespmem:$0x1FE30] =	vst v4;
	v3 =	vadd.s32 $0x7FFF, v3;
	v2 =	vand.u32 $0xFFFF0000, v2;
	v4 =	vmul.f32 $-2.000000000e+00, v1  }
0x52: {  	[tilespmem:$0x1FE20] =	vst v0;
	v0 =	vmul.f32 $-2.000000000e+00, v2;
	v1 =	vand.u32 $0xFFFF0000, v3  }
0x53: {  	[tilespmem:$0x1FE40] =	vst v5;
	v5 =	vmul.f32 $-2.000000000e+00, v1;
	v9 =	vbroadcast v4, $0x0  }
0x54: {  	v10 =	vbroadcast v0, $0x0;
	v12 =	vbroadcast v4, $0x1  }
0x55: {  	v13 =	vbroadcast v0, $0x1;
	v15 =	vbroadcast v4, $0x2  }
0x56: {  	v16 =	vbroadcast v0, $0x2;
	v18 =	vbroadcast v4, $0x3  }
0x57: {  	v19 =	vbroadcast v0, $0x3;
	v21 =	vbroadcast v4, $0x4  }
0x58: {  	v22 =	vbroadcast v0, $0x4;
	v24 =	vbroadcast v4, $0x5  }
0x59: {  	s31 =	simm.s32 $0x6010;
	v25 =	vbroadcast v0, $0x5;
	v27 =	vbroadcast v4, $0x6  }
0x5a: {  	v7 =	vld [tilespmem:s31+$0x0];
	v28 =	vbroadcast v0, $0x6;
	v30 =	vbroadcast v4, $0x7  }
0x5b: {  	[tilespmem:$0x1FE60] =	vst v0;
	v0 =	vbroadcast v0, $0x7;
	v11 =	vbroadcast v5, $0x0  }
0x5c: {  	s1 =	simm.s32 $0x8010;
	v14 =	vbroadcast v5, $0x1;
	v17 =	vbroadcast v5, $0x2  }
0x5d: {  	s23 =	simm.s32 $0xA010;
	v2 =	vld [tilespmem:s1+$0xFFFFFFF0];
	v20 =	vbroadcast v5, $0x3;
	v23 =	vbroadcast v5, $0x4  }
0x5e: {  	v42 =	vld [tilespmem:s23+$0xFFFFFFF0];
	v26 =	vbroadcast v5, $0x5;
	v29 =	vbroadcast v5, $0x6  }
0x5f: {  	v31 =	vbroadcast v5, $0x7;
	v46 =	vmul.f32 v7, v30  }
0x60: {  	v48 =	vld [tilespmem:s23+$0x0];
	v49 =	vmul.f32 v7, v9;
	v51 =	vmul.f32 v7, v18  }
0x61: {  	v62 =	vmul.f32 v7, v12;
	v63 =	vmul.f32 v7, v27  }
0x62: {  	v8 =	vmul.f32 v2, v13;
	v41 =	vmul.f32 v2, v16  }
0x63: {  	v1 =	vld [tilespmem:s31+$0xFFFFFFF0];
	v45 =	vmul.f32 v2, v19;
	v57 =	vmul.f32 v42, v26  }
0x64: {  	v52 =	vmul.f32 v2, v25;
	v58 =	vmul.f32 v2, v0  }
0x65: {  	v59 =	vmul.f32 v2, v28;
	v60 =	vmul.f32 v48, v31  }
0x66: {  	s22 =	simm.s32 $0xC010;
	v61 =	vmul.f32 v2, v10;
	v32 =	vmul.f32 v42, v20  }
0x67: {  	v40 =	vld [tilespmem:s22+$0x0];
	v33 =	vmul.f32 v48, v29;
	v35 =	vmul.f32 v48, v23  }
0x68: {  	[tilespmem:$0x1FE70] =	vst v5;
	v2 =	vmul.f32 v2, v22;
	v5 =	vmul.f32 v1, v9  }
0x69: {  	v3 =	vld [tilespmem:s22+$0xFFFFFFF0];
	v6 =	vmul.f32 v1, v12;
	v36 =	vmul.f32 v1, v15  }
0x6a: {  	[tilespmem:$0x1FE50] =	vst v4;
	v4 =	vld [tilespmem:s1+$0x0];
	v37 =	vmul.f32 v1, v21;
	v39 =	vmul.f32 v1, v30  }
0x6b: {  	v38 =	vimm.f32 $3.000000010e+38;
	[tilespmem:$0x1FE80] =	vst v30;
	v43 =	vmul.f32 v1, v27;
	v47 =	vmul.f32 v1, v24  }
0x6c: {  	[tilespmem:$0x1FEC0] =	vst v18;
	v46 =	vadd.f32 v40, v46;
	v51 =	vadd.f32 v40, v51;
	v1 =	vmul.f32 v1, v18  }
0x6d: {  	[tilespmem:$0x1FED0] =	vst v12;
	v12 =	vadd.f32 v40, v63;
	v54 =	vadd.f32 v40, v49;
	v18 =	vmul.f32 v42, v11  }
0x6e: {  	[tilespmem:$0x1FEE0] =	vst v27;
	v27 =	vmul.f32 v7, v15;
	v30 =	vmul.f32 v48, v20;
	v5 =	vadd.f32 v3, v5  }
0x6f: {  	v56 =	vmul.f32 v4, v0;
	v36 =	vadd.f32 v3, v36;
	v44 =	vadd.f32 v3, v37  }
0x70: {  	v50 =	vmul.f32 v4, v13;
	v43 =	vadd.f32 v3, v43;
	v6 =	vadd.f32 v3, v6  }
0x71: {  	[tilespmem:$0x1FEA0] =	vst v13;
	v13 =	vmul.f32 v4, v28;
	v47 =	vadd.f32 v3, v47;
	v39 =	vadd.f32 v3, v39  }
0x72: {  	[tilespmem:$0x1FEF0] =	vst v28;
	v28 =	vmul.f32 v4, v22;
	v1 =	vadd.f32 v3, v1;
	v37 =	vadd.f32 v46, v56  }
0x73: {  	v34 =	vmul.f32 v4, v16;
	v46 =	vadd.f32 v12, v13;
	v36 =	vadd.f32 v36, v41  }
0x74: {  	v3 =	vmul.f32 v42, v17;
	v47 =	vadd.f32 v47, v52;
	v39 =	vadd.f32 v39, v58  }
0x75: {  	v56 =	vmul.f32 v48, v11;
	v43 =	vadd.f32 v43, v59;
	v5 =	vadd.f32 v5, v61  }
0x76: {  	v6 =	vadd.f32 v6, v8;
	v8 =	vmul.f32 v42, v29;
	v1 =	vadd.f32 v1, v45  }
0x77: {  	v52 =	vmul.f32 v4, v25;
	v59 =	vmul.f32 v42, v31;
	v2 =	vadd.f32 v44, v2  }
0x78: {  	v61 =	vmul.f32 v42, v14;
	v37 =	vadd.f32 v37, v60;
	v49 =	vadd.f32 v46, v33  }
0x79: {  	v42 =	vmul.f32 v42, v23;
	v53 =	vadd.f32 v47, v57;
	v47 =	vadd.f32 v40, v62  }
0x7a: {  	v60 =	vmul.f32 v48, v17;
	v55 =	vadd.f32 v36, v3;
	v5 =	vadd.f32 v5, v18  }
0x7b: {  	v3 =	vmul.f32 v7, v24;
	v8 =	vadd.f32 v43, v8;
	v1 =	vadd.f32 v1, v32  }
0x7c: {  	[tilespmem:$0x1FF00] =	vst v24;
	v24 =	vmul.f32 v4, v19;
	v39 =	vadd.f32 v39, v59;
	v6 =	vadd.f32 v6, v61  }
0x7d: {  	v7 =	vmul.f32 v7, v21;
	v2 =	vadd.f32 v2, v42;
	v41 =	vadd.f32 v47, v50  }
0x7e: {  	v57 =	vimm.s32 $0x0;
	v36 =	vadd.f32 v51, v24;
	v3 =	vadd.f32 v40, v3  }
0x7f: {  	[tilespmem:$0x1FE90] =	vst v9;
	v59 =	vmul.f32 v4, v10;
	v47 =	vadd.f32 v40, v27;
	v7 =	vadd.f32 v40, v7  }
0x80: {  	[tilespmem:$0x1FEB0] =	vst v0;
	vm0 =	vlt.f32 v53, v38;
	vm1 =	vlt.f32 v55, v38;
	vm2 =	vlt.f32 v5, v38  }
0x81: {  	[tilespmem:$0x1FF10] =	vst v19;
	vm15 =	vlt.f32 v1, v38;
	vm3 =	vlt.f32 v8, v38;
	vm4 =	vlt.f32 v6, v38  }
0x82: {  	[tilespmem:$0x1FF20] =	vst v15;
	vm5 =	vlt.f32 v2, v38;
	v46 =	vsel vm2, v5, v38;
	v1 =	vsel vm15, v1, v38  }
0x83: {  	[tilespmem:$0x1FF30] =	vst v21;
	v5 =	vmul.f32 v48, v26;
	v44 =	vsel vm5, v2, v38;
	v40 =	vadd.f32 v36, v30  }
0x84: {  	[tilespmem:$0x1FF60] =	vst v16;
	v53 =	vsel vm0, v53, v38;
	v7 =	vadd.f32 v7, v28;
	v58 =	vadd.f32 v47, v34  }
0x85: {  	[tilespmem:$0x1FF70] =	vst v22;
	v62 =	vadd.f32 v3, v52;
	v3 =	vmul.f32 v48, v14;
	v47 =	vsel vm3, v8, v38  }
0x86: {  	[tilespmem:$0x1FF80] =	vst v25;
	v50 =	vadd.f32 v7, v35;
	v7 =	vlaneseq.u32;
	v58 =	vadd.f32 v58, v60  }
0x87: {  	[tilespmem:$0x1FFE0] =	vst v10;
	v51 =	vadd.f32 v62, v5;
	v5 =	vadd.f32 v54, v59;
	v36 =	vadd.s32 $0x20, v7  }
0x88: {  	[tilespmem:$0x1FF40] =	vst v20;
	v45 =	vsel vm2, v7, v57;
	vm2 =	vlt.f32 v40, v1;
	v52 =	vsel vm0, v7, v57  }
0x89: {  	[tilespmem:$0x1FF50] =	vst v29;
	v48 =	vsel vm3, v7, v57;
	vm3 =	vlt.f32 v39, v38;
	v63 =	vsel vm15, v7, v57  }
0x8a: {  	[tilespmem:$0x1FF90] =	vst v31;
	v2 =	vsel vm1, v7, v57;
	v54 =	vsel vm4, v7, v57;
	vm15 =	vlt.f32 v49, v47  }
0x8b: {  	[tilespmem:$0x1FFA0] =	vst v17;
	v4 =	vsel vm2, v40, v1;
	v1 =	vsel vm1, v55, v38;
	v43 =	vsel vm3, v39, v38  }
0x8c: {  	[tilespmem:$0x1FFB0] =	vst v14;
	v56 =	vadd.f32 v5, v56;
	v39 =	vsel vm3, v7, v57;
	v55 =	vsel vm4, v6, v38  }
0x8d: {  	[tilespmem:$0x1FFC0] =	vst v11;
	v5 =	vsel vm5, v7, v57;
	vm0 =	vlt.f32 v50, v44;
	vm6 =	vlt.f32 v58, v1  }
0x8e: {  	[tilespmem:$0x1FFD0] =	vst v23;
	vm1 =	vlt.f32 v37, v43;
	v8 =	vsel vm6, v58, v1;
	v1 =	vadd.s32 $0x10, v7  }
0x8f: {  	s24 =	simm.s32 $0x0;
	s25 =	simm.s32 $0x8030;
	s26 =	simm.s32 $0x6030;
	[tilespmem:$0x1FFF0] =	vst v26;
	v62 =	vsel vm2, v1, v63;
	v7 =	vsel vm6, v1, v2;
	v5 =	vsel vm0, v1, v5  }
.LBB2_5:
0x90: {  	v57 =	vld [tilespmem:s26+$0xFFFFFFF0]  }
0x91: {  	v58 =	vld [tilespmem:s25+$0xFFFFFFF0]  }
0x92: {  	v47 =	vsel vm15, v49, v47;
	v49 =	vld [tilespmem:s25+$0x0]  }
0x93: {  	v9 =	vld [tilespmem:$0x1FE90]  }
0x94: {  	v23 =	vld [tilespmem:$0x1FED0]  }
0x95: {  	v10 =	vld [tilespmem:$0x1FEA0]  }
0x96: {  	v28 =	vld [tilespmem:$0x1FF20]  }
0x97: {  	v33 =	vld [tilespmem:$0x1FF30]  }
0x98: {  	v6 =	vld [tilespmem:$0x1FE80]  }
0x99: {  	s22 =	sadd.s32 $0x20, s22;
	v11 =	vld [tilespmem:$0x1FF60]  }
0x9a: {  	v3 =	vadd.f32 v41, v3;
	vm2 =	vlt.f32 v51, v53;
	v41 =	vld [tilespmem:s22+$0xFFFFFFF0]  }
0x9b: {  	v48 =	vsel vm15, v1, v48;
	v40 =	vsel vm2, v51, v53;
	v51 =	vld [tilespmem:s26+$0x0]  }
0x9c: {  	v44 =	vsel vm0, v50, v44;
	v0 =	vsel vm1, v1, v39;
	v14 =	vld [tilespmem:$0x1FEB0];
	vm3 =	vlt.f32 v56, v46  }
0x9d: {  	v52 =	vsel vm2, v1, v52;
	v46 =	vsel vm3, v56, v46;
	vm0 =	vlt.f32 v3, v55;
	v56 =	vld [tilespmem:s22+$0x0]  }
0x9e: {  	v32 =	vld [tilespmem:$0x1FEE0];
	[tilespmem:$0x1FDF0] =	vst v0;
	v45 =	vsel vm3, v1, v45;
	v0 =	vsel vm0, v1, v54;
	v1 =	vmul.f32 v57, v9  }
0x9f: {  	v30 =	vld [tilespmem:$0x1FF10];
	v38 =	vsel vm0, v3, v55;
	v3 =	vmul.f32 v57, v23  }
0xa0: {  	s23 =	sadd.s32 $0x20, s23;
	v19 =	vld [tilespmem:$0x1FFB0];
	v15 =	vmul.f32 v51, v6;
	v54 =	vadd.f32 v41, v1;
	v1 =	vmul.f32 v57, v33  }
0xa1: {  	v50 =	vld [tilespmem:s23+$0xFFFFFFF0];
	v53 =	vmul.f32 v58, v10;
	v31 =	vmul.f32 v57, v28  }
0xa2: {  	v25 =	vld [tilespmem:$0x1FF00];
	v15 =	vadd.f32 v56, v15;
	v39 =	vadd.f32 v41, v1;
	v1 =	vmul.f32 v49, v14  }
0xa3: {  	v24 =	vld [tilespmem:$0x1FEC0];
	v42 =	vmul.f32 v57, v6;
	v59 =	vmul.f32 v58, v11  }
0xa4: {  	v60 =	vmul.f32 v57, v32;
	v63 =	vmul.f32 v58, v30;
	v15 =	vadd.f32 v15, v1;
	v1 =	vld [tilespmem:$0x1FF80]  }
0xa5: {  	v43 =	vsel vm1, v37, v43;
	v26 =	vld [tilespmem:$0x1FFA0];
	v11 =	vmul.f32 v49, v11;
	v30 =	vmul.f32 v49, v30  }
0xa6: {  	v2 =	vmovc v36;
	v36 =	vadd.s32 $0x20, v36;
	[tilespmem:$0x1FE00] =	vst v0;
	v0 =	vmul.f32 v50, v19;
	v17 =	vmul.f32 v51, v9;
	v6 =	vld [tilespmem:$0x1FFF0]  }
0xa7: {  	v35 =	vld [tilespmem:$0x1FFD0];
	v9 =	vmul.f32 v49, v10;
	v16 =	vadd.f32 v41, v3;
	v3 =	vmul.f32 v57, v25  }
0xa8: {  	v10 =	vmul.f32 v51, v24;
	v23 =	vmul.f32 v51, v23;
	v55 =	vadd.f32 v41, v42;
	v42 =	vld [tilespmem:$0x1FEF0]  }
0xa9: {  	v37 =	vadd.f32 v41, v31;
	v31 =	vld [tilespmem:$0x1FFE0];
	v12 =	vadd.f32 v41, v3;
	v20 =	vmul.f32 v58, v1  }
0xaa: {  	v60 =	vadd.f32 v41, v60;
	v57 =	vmul.f32 v57, v24;
	[tilespmem:$0x1FDE0] =	vst v0;
	v0 =	vld [tilespmem:s23+$0x0];
	v10 =	vadd.f32 v56, v10  }
0xab: {  	v17 =	vadd.f32 v56, v17;
	v3 =	vld [tilespmem:$0x1FF50];
	v61 =	vmul.f32 v50, v6;
	v12 =	vadd.f32 v12, v20  }
0xac: {  	v34 =	vld [tilespmem:$0x1FF70];
	v23 =	vadd.f32 v56, v23;
	v59 =	vadd.f32 v37, v59;
	v14 =	vmul.f32 v58, v14  }
0xad: {  	v37 =	vmul.f32 v51, v25;
	v16 =	vadd.f32 v16, v53;
	v12 =	vadd.f32 v12, v61;
	v61 =	vld [tilespmem:$0x1FF90]  }
0xae: {  	v10 =	vadd.f32 v10, v30;
	v22 =	vmul.f32 v58, v42;
	v25 =	vmul.f32 v58, v31  }
0xaf: {  	v14 =	vadd.f32 v55, v14;
	v21 =	vmul.f32 v0, v26;
	v55 =	vmul.f32 v0, v35  }
0xb0: {  	v27 =	vadd.f32 v56, v37;
	v26 =	vmul.f32 v50, v26;
	v13 =	vmul.f32 v50, v3  }
0xb1: {  	v18 =	vmul.f32 v0, v3;
	v3 =	vmul.f32 v0, v19;
	v22 =	vadd.f32 v60, v22  }
0xb2: {  	v29 =	vld [tilespmem:$0x1FFC0];
	v60 =	vmul.f32 v49, v34;
	v25 =	vadd.f32 v54, v25;
	v24 =	vmul.f32 v0, v61  }
0xb3: {  	v26 =	vadd.f32 v59, v26;
	v59 =	vmul.f32 v58, v34;
	v19 =	vmul.f32 v49, v1  }
0xb4: {  	v37 =	vadd.f32 v15, v24;
	v24 =	vmul.f32 v51, v28;
	v28 =	vmul.f32 v51, v32;
	v32 =	vld [tilespmem:$0x1FF40]  }
0xb5: {  	v1 =	vadd.s32 $0x10, v2;
	v13 =	vadd.f32 v22, v13;
	v15 =	vadd.f32 v41, v57  }
0xb6: {  	v57 =	vmul.f32 v50, v61;
	v61 =	vmul.f32 v49, v42;
	v41 =	vadd.f32 v56, v28  }
0xb7: {  	v20 =	vmul.f32 v0, v29;
	v29 =	vmul.f32 v50, v29;
	v15 =	vadd.f32 v15, v63  }
0xb8: {  	vm1 =	vlt.f32 v26, v8;
	v28 =	vadd.f32 v41, v61;
	v41 =	vadd.f32 v23, v9  }
0xb9: {  	v9 =	vmul.f32 v51, v33;
	v33 =	vadd.f32 v25, v29;
	v53 =	vmul.f32 v50, v32  }
0xba: {  	v34 =	vadd.f32 v27, v19;
	v24 =	vadd.f32 v56, v24;
	v54 =	vmul.f32 v0, v32  }
0xbb: {  	v0 =	vmul.f32 v0, v6;
	vm2 =	vlt.f32 v33, v46;
	v15 =	vadd.f32 v15, v53  }
0xbc: {  	v9 =	vadd.f32 v56, v9;
	v46 =	vsel vm2, v33, v46;
	v45 =	vsel vm2, v2, v45  }
0xbd: {  	v10 =	vadd.f32 v10, v54;
	vm2 =	vlt.f32 v13, v47;
	vm3 =	vlt.f32 v15, v4  }
0xbe: {  	v51 =	vadd.f32 v34, v0;
	v48 =	vsel vm2, v2, v48;
	v4 =	vsel vm3, v15, v4  }
0xbf: {  	v47 =	vsel vm2, v13, v47;
	v0 =	vsel vm3, v2, v62;
	vm2 =	vlt.f32 v10, v4  }
0xc0: {  	v8 =	vsel vm1, v26, v8;
	v9 =	vadd.f32 v9, v60;
	v62 =	vsel vm2, v1, v0;
	v0 =	vld [tilespmem:$0x1FDF0]  }
0xc1: {  	v7 =	vsel vm1, v2, v7;
	vm0 =	vlt.f32 v12, v40;
	v11 =	vadd.f32 v24, v11;
	v6 =	vld [tilespmem:$0x1FDE0]  }
0xc2: {  	v42 =	vmul.f32 v50, v35;
	v50 =	vadd.f32 v9, v55;
	v9 =	vadd.f32 v14, v57  }
0xc3: {  	v52 =	vsel vm0, v2, v52;
	v61 =	vmul.f32 v49, v31;
	v33 =	vadd.f32 v39, v59  }
0xc4: {  	v49 =	vadd.f32 v28, v18;
	v11 =	vadd.f32 v11, v21;
	vm4 =	vlt.f32 v9, v43  }
0xc5: {  	s24 =	sadd.s32 $0x2, s24;
	v53 =	vsel vm0, v12, v40;
	v63 =	vadd.f32 v33, v42;
	v39 =	vsel vm4, v2, v0;
	v0 =	vld [tilespmem:$0x1FE00]  }
0xc6: {  	p0 =	slt.u32 s24, $0x1FE;
	vm1 =	vlt.f32 v11, v8;
	vm15 =	vlt.f32 v49, v47;
	v35 =	vadd.f32 v16, v6  }
.Ltmp1:
0xc7: {  	v8 =	vsel vm1, v11, v8;
	v7 =	vsel vm1, v1, v7;
	vm6 =	vlt.f32 v63, v44;
	(pc) =	sbr.rel @p0 .LBB2_5-.Ltmp1, $4  }
0xc8: {  	v4 =	vsel vm2, v10, v4;
	vm5 =	vlt.f32 v35, v38;
	v44 =	vsel vm6, v63, v44  }
0xc9: {  	v43 =	vsel vm4, v9, v43;
	v9 =	vadd.f32 v17, v61;
	vm0 =	vlt.f32 v50, v44  }
0xca: {  	v55 =	vsel vm5, v35, v38;
	v54 =	vsel vm5, v2, v0;
	v0 =	vsel vm6, v2, v5  }
0xcb: {  	s25 =	sadd.s32 $0x20, s25;
	s26 =	sadd.s32 $0x20, s26;
	vm1 =	vlt.f32 v37, v43;
	v56 =	vadd.f32 v9, v20;
	v5 =	vsel vm0, v1, v0  }
0xcc: {  	v9 =	vld [tilespmem:$0x1FE50]  }
0xcd: {  	[tilespmem:$0x1FBA0] =	vst v5;
	v5 =	vld [tilespmem:$0x1FE60]  }
0xce: {  	v11 =	vld [tilespmem:$0x1FE70];
	_ =	sdelay $0x3  }
0xcf: {  	v12 =	vbroadcast v9, $0x8  }
0xd0: {  	v14 =	vbroadcast v5, $0x8;
	v6 =	vbroadcast v11, $0x8  }
0xd1: {  	v15 =	vbroadcast v9, $0x9;
	v18 =	vbroadcast v5, $0x9  }
0xd2: {  	v0 =	vadd.f32 v41, v3;
	v19 =	vbroadcast v11, $0x9;
	v20 =	vbroadcast v9, $0xA  }
0xd3: {  	[tilespmem:$0x1FB60] =	vst v8;
	vm2 =	vlt.f32 v51, v53;
	v21 =	vbroadcast v5, $0xA;
	v22 =	vbroadcast v11, $0xA  }
0xd4: {  	[tilespmem:$0x1FB80] =	vst v7;
	v2 =	vsel vm15, v1, v48;
	v23 =	vbroadcast v9, $0xB;
	v24 =	vbroadcast v5, $0xB  }
0xd5: {  	s0 =	simm.s32 $0x6010;
	[tilespmem:$0x1FBB0] =	vst v2;
	v2 =	vsel vm2, v1, v52;
	v7 =	vbroadcast v11, $0xB;
	v25 =	vbroadcast v9, $0xC  }
0xd6: {  	[tilespmem:$0x1FB70] =	vst v4;
	vm3 =	vlt.f32 v56, v46;
	v13 =	vld [tilespmem:s0+$0x0];
	v4 =	vbroadcast v5, $0xC;
	v8 =	vbroadcast v11, $0xC  }
0xd7: {  	s23 =	simm.s32 $0xA010;
	[tilespmem:$0x1FBC0] =	vst v2;
	v2 =	vsel vm15, v49, v47;
	v26 =	vbroadcast v9, $0xD;
	v27 =	vbroadcast v5, $0xD  }
0xd8: {  	s1 =	simm.s32 $0x8010;
	v57 =	vld [tilespmem:s23+$0x0];
	v3 =	vsel vm3, v1, v45;
	[tilespmem:$0x1FBD0] =	vst v2;
	v28 =	vbroadcast v11, $0xD;
	v29 =	vbroadcast v9, $0xE  }
0xd9: {  	v2 =	vsel vm1, v37, v43;
	[tilespmem:$0x1FC20] =	vst v3;
	v3 =	vld [tilespmem:s1+$0xFFFFFFF0];
	v31 =	vbroadcast v5, $0xE;
	v9 =	vbroadcast v9, $0xF  }
0xda: {  	[tilespmem:$0x1FBE0] =	vst v2;
	v2 =	vsel vm0, v50, v44;
	v32 =	vbroadcast v11, $0xE;
	v5 =	vbroadcast v5, $0xF  }
0xdb: {  	[tilespmem:$0x1FBF0] =	vst v2;
	v2 =	vsel vm1, v1, v39;
	v36 =	vbroadcast v11, $0xF;
	v45 =	vmul.f32 v13, v9  }
0xdc: {  	v50 =	vld [tilespmem:s23+$0xFFFFFFF0];
	[tilespmem:$0x1FC00] =	vst v2;
	v2 =	vsel vm3, v56, v46;
	v58 =	vmul.f32 v13, v12;
	v60 =	vmul.f32 v13, v23  }
0xdd: {  	vm0 =	vlt.f32 v0, v55;
	[tilespmem:$0x1FC10] =	vst v2;
	v2 =	vld [tilespmem:s0+$0xFFFFFFF0];
	v41 =	vmul.f32 v57, v36;
	v37 =	vmul.f32 v57, v7  }
0xde: {  	s22 =	simm.s32 $0xC010;
	v0 =	vsel vm0, v0, v55;
	v40 =	vmul.f32 v57, v32;
	v17 =	vmul.f32 v3, v18  }
0xdf: {  	v49 =	vld [tilespmem:s22+$0x0];
	[tilespmem:$0x1FC30] =	vst v0;
	v0 =	vsel vm0, v1, v54;
	v42 =	vmul.f32 v3, v21;
	v54 =	vmul.f32 v3, v24  }
0xe0: {  	[tilespmem:$0x1FC40] =	vst v0;
	v0 =	vld [tilespmem:s1+$0x0];
	v61 =	vmul.f32 v3, v27;
	v47 =	vmul.f32 v3, v5  }
0xe1: {  	v1 =	vsel vm2, v51, v53;
	v48 =	vmul.f32 v3, v31;
	v38 =	vmul.f32 v50, v7  }
0xe2: {  	[tilespmem:$0x1FC50] =	vst v1;
	v1 =	vmul.f32 v2, v12;
	v11 =	vmul.f32 v2, v15  }
0xe3: {  	v10 =	vld [tilespmem:s22+$0xFFFFFFF0];
	v16 =	vmul.f32 v2, v20;
	v34 =	vmul.f32 v2, v25  }
0xe4: {  	v30 =	vimm.f32 $3.000000010e+38;
	v39 =	vmul.f32 v2, v9;
	v43 =	vmul.f32 v2, v29  }
0xe5: {  	v55 =	vadd.f32 v49, v45;
	v44 =	vmul.f32 v0, v5;
	v46 =	vmul.f32 v2, v26  }
0xe6: {  	v60 =	vadd.f32 v49, v60;
	v59 =	vmul.f32 v0, v18;
	v2 =	vmul.f32 v2, v23  }
0xe7: {  	[tilespmem:$0x1FCA0] =	vst v23;
	v58 =	vadd.f32 v49, v58;
	v45 =	vmul.f32 v0, v31;
	v23 =	vmul.f32 v13, v26  }
0xe8: {  	[tilespmem:$0x1FCF0] =	vst v24;
	v24 =	vmul.f32 v0, v24;
	v1 =	vadd.f32 v10, v1;
	v16 =	vadd.f32 v10, v16  }
0xe9: {  	[tilespmem:$0x1FCE0] =	vst v26;
	v26 =	vmul.f32 v13, v20;
	v34 =	vadd.f32 v10, v34;
	v52 =	vadd.f32 v10, v43  }
0xea: {  	[tilespmem:$0x1FC60] =	vst v9;
	v9 =	vimm.s32 $0x0;
	v11 =	vadd.f32 v10, v11;
	v56 =	vadd.f32 v10, v46  }
0xeb: {  	[tilespmem:$0x1FC70] =	vst v12;
	v12 =	vlaneseq.u32;
	v53 =	vadd.f32 v55, v44;
	v39 =	vadd.f32 v10, v39  }
0xec: {  	v43 =	vmul.f32 v13, v15;
	v44 =	vmul.f32 v13, v29;
	v2 =	vadd.f32 v10, v2  }
0xed: {  	[tilespmem:$0x1FCD0] =	vst v31;
	v10 =	vmul.f32 v50, v22;
	v13 =	vmul.f32 v13, v25;
	v31 =	vadd.f32 v49, v23  }
0xee: {  	[tilespmem:$0x1FCC0] =	vst v29;
	v29 =	vmul.f32 v0, v4;
	v51 =	vadd.f32 v16, v42;
	v56 =	vadd.f32 v56, v61  }
0xef: {  	v16 =	vmul.f32 v50, v28;
	v39 =	vadd.f32 v39, v47;
	v52 =	vadd.f32 v52, v48  }
0xf0: {  	v42 =	vmul.f32 v3, v14;
	v11 =	vadd.f32 v11, v17;
	v46 =	vadd.f32 v49, v43  }
0xf1: {  	v17 =	vmul.f32 v50, v32;
	v13 =	vadd.f32 v49, v13;
	v2 =	vadd.f32 v2, v54  }
0xf2: {  	v47 =	vmul.f32 v50, v6;
	v33 =	vadd.f32 v56, v16;
	v16 =	vadd.f32 v53, v41  }
0xf3: {  	v3 =	vmul.f32 v3, v4;
	v1 =	vadd.f32 v1, v42;
	v53 =	vadd.f32 v49, v44  }
0xf4: {  	v43 =	vmul.f32 v0, v27;
	v10 =	vadd.f32 v51, v10;
	v55 =	vadd.f32 v46, v59  }
0xf5: {  	v61 =	vadd.s32 $0x20, v12;
	v56 =	vadd.f32 v60, v24;
	v59 =	vadd.f32 v49, v26  }
0xf6: {  	v35 =	vadd.f32 v52, v17;
	v13 =	vadd.f32 v13, v29;
	v41 =	vmul.f32 v0, v21  }
0xf7: {  	v2 =	vadd.f32 v2, v38;
	v42 =	vmul.f32 v57, v8;
	v44 =	vmul.f32 v50, v36  }
0xf8: {  	v3 =	vadd.f32 v34, v3;
	v46 =	vmul.f32 v50, v19;
	v49 =	vadd.f32 v31, v43  }
0xf9: {  	[tilespmem:$0x1FB90] =	vst v62;
	v50 =	vmul.f32 v50, v8;
	v53 =	vadd.f32 v53, v45;
	v1 =	vadd.f32 v1, v47  }
0xfa: {  	[tilespmem:$0x1FC80] =	vst v18;
	v0 =	vmul.f32 v0, v14;
	v17 =	vadd.f32 v56, v37;
	v52 =	vadd.f32 v59, v41  }
0xfb: {  	[tilespmem:$0x1FC90] =	vst v5;
	v45 =	vmul.f32 v57, v22;
	v56 =	vadd.f32 v13, v42;
	v13 =	vadd.f32 v39, v44  }
0xfc: {  	[tilespmem:$0x1FCB0] =	vst v15;
	v11 =	vadd.f32 v11, v46;
	v47 =	vmul.f32 v57, v6;
	vm0 =	vlt.f32 v33, v30  }
0xfd: {  	[tilespmem:$0x1FD00] =	vst v20;
	vm1 =	vlt.f32 v10, v30;
	vm3 =	vlt.f32 v2, v30;
	vm4 =	vlt.f32 v35, v30  }
0xfe: {  	[tilespmem:$0x1FD10] =	vst v25;
	v0 =	vadd.f32 v58, v0;
	v54 =	vsel vm4, v12, v9;
	v51 =	vadd.f32 v53, v40  }
0xff: {  	[tilespmem:$0x1FD20] =	vst v7;
	v34 =	vadd.f32 v52, v45;
	v52 =	vmul.f32 v57, v19;
	vm2 =	vlt.f32 v1, v30  }
0x100: {  	[tilespmem:$0x1FD30] =	vst v32;
	v53 =	vsel vm0, v12, v9;
	vm5 =	vlt.f32 v11, v30;
	v63 =	vsel vm2, v1, v30  }
0x101: {  	[tilespmem:$0x1FD40] =	vst v21;
	v1 =	vsel vm3, v2, v30;
	v2 =	vadd.f32 v3, v50;
	v62 =	vsel vm2, v12, v9  }
0x102: {  	[tilespmem:$0x1FD50] =	vst v4;
	v3 =	vmul.f32 v57, v28;
	v57 =	vsel vm4, v35, v30;
	vm4 =	vlt.f32 v13, v30  }
0x103: {  	[tilespmem:$0x1FD60] =	vst v27;
	v11 =	vsel vm5, v11, v30;
	vm2 =	vlt.f32 v17, v1;
	v59 =	vsel vm4, v13, v30  }
0x104: {  	[tilespmem:$0x1FD70] =	vst v36;
	v13 =	vadd.f32 v0, v47;
	v0 =	vsel vm1, v12, v9;
	v58 =	vsel vm4, v12, v9  }
0x105: {  	[tilespmem:$0x1FD80] =	vst v22;
	v17 =	vsel vm2, v17, v1;
	v60 =	vadd.f32 v49, v3;
	v1 =	vsel vm1, v10, v30  }
0x106: {  	[tilespmem:$0x1FD90] =	vst v19;
	vm6 =	vlt.f32 v2, v30;
	v3 =	vsel vm3, v12, v9;
	v10 =	vsel vm5, v12, v9  }
0x107: {  	[tilespmem:$0x1FDA0] =	vst v6;
	vm15 =	vlt.f32 v16, v59;
	v2 =	vsel vm6, v2, v30;
	vm3 =	vlt.f32 v34, v1  }
0x108: {  	[tilespmem:$0x1FDB0] =	vst v8;
	v9 =	vsel vm6, v12, v9;
	v50 =	vsel vm3, v34, v1;
	v1 =	vsel vm0, v33, v30  }
0x109: {  	[tilespmem:$0x1FDC0] =	vst v14;
	v34 =	vadd.s32 $0x10, v12;
	vm0 =	vlt.f32 v51, v57;
	vm1 =	vlt.f32 v56, v2  }
0x10a: {  	s24 =	simm.s32 $0x0;
	s25 =	simm.s32 $0x8030;
	s26 =	simm.s32 $0x6030;
	[tilespmem:$0x1FDD0] =	vst v28;
	v7 =	vsel vm2, v34, v3;
	v8 =	vsel vm3, v34, v0;
	v6 =	vsel vm1, v34, v9  }
.LBB2_7:
0x10b: {  	v0 =	vld [tilespmem:s26+$0xFFFFFFF0]  }
0x10c: {  	v12 =	vld [tilespmem:s25+$0xFFFFFFF0]  }
0x10d: {  	v35 =	vld [tilespmem:s25+$0x0]  }
0x10e: {  	v5 =	vld [tilespmem:$0x1FC70]  }
0x10f: {  	[tilespmem:$0x1FB50] =	vst v6;
	v6 =	vld [tilespmem:$0x1FCB0]  }
0x110: {  	v23 =	vld [tilespmem:$0x1FC80]  }
0x111: {  	v46 =	vld [tilespmem:$0x1FD00]  }
0x112: {  	v4 =	vsel vm15, v34, v58;
	v58 =	vmov v8;
	v8 =	vld [tilespmem:$0x1FC60]  }
0x113: {  	v26 =	vld [tilespmem:$0x1FD40]  }
0x114: {  	v47 =	vld [tilespmem:$0x1FCC0]  }
0x115: {  	v36 =	vld [tilespmem:$0x1FD90]  }
0x116: {  	v31 =	vld [tilespmem:$0x1FC90]  }
0x117: {  	v9 =	vadd.f32 v55, v52;
	v54 =	vsel vm0, v34, v54;
	v57 =	vsel vm0, v51, v57;
	v49 =	vld [tilespmem:$0x1FDD0]  }
0x118: {  	v59 =	vsel vm15, v16, v59;
	v30 =	vld [tilespmem:$0x1FD30];
	vm2 =	vlt.f32 v60, v1;
	vm0 =	vlt.f32 v13, v63  }
0x119: {  	v48 =	vld [tilespmem:$0x1FD60];
	v13 =	vsel vm0, v13, v63;
	v51 =	vsel vm0, v34, v62;
	vm0 =	vlt.f32 v9, v11  }
0x11a: {  	s23 =	sadd.s32 $0x20, s23;
	v1 =	vsel vm2, v60, v1;
	v60 =	vld [tilespmem:s26+$0x0];
	v11 =	vsel vm0, v9, v11;
	v9 =	vmul.f32 v0, v5  }
0x11b: {  	s22 =	sadd.s32 $0x20, s22;
	v2 =	vsel vm1, v56, v2;
	v56 =	vld [tilespmem:s23+$0xFFFFFFF0];
	v16 =	vmul.f32 v0, v6;
	v55 =	vmul.f32 v12, v23  }
0x11c: {  	v33 =	vld [tilespmem:s22+$0xFFFFFFF0];
	v41 =	vmul.f32 v0, v46;
	v43 =	vmul.f32 v0, v8  }
0x11d: {  	v19 =	vld [tilespmem:s23+$0x0];
	v14 =	vmul.f32 v12, v26;
	v15 =	vmul.f32 v0, v47  }
0x11e: {  	v45 =	vmul.f32 v35, v31;
	v23 =	vmul.f32 v35, v23  }
0x11f: {  	v31 =	vmul.f32 v12, v31;
	v20 =	vmul.f32 v60, v8;
	v8 =	vld [tilespmem:$0x1FCE0]  }
0x120: {  	[tilespmem:$0x1FB30] =	vst v4;
	v63 =	vld [tilespmem:s22+$0x0];
	v4 =	vsel vm0, v34, v10;
	v37 =	vmul.f32 v12, v48;
	v28 =	vmul.f32 v56, v36  }
0x121: {  	v53 =	vsel vm2, v34, v53;
	[tilespmem:$0x1FB40] =	vst v4;
	v4 =	vld [tilespmem:$0x1FD10];
	v25 =	vmul.f32 v56, v49;
	v27 =	vmul.f32 v56, v30  }
0x122: {  	v39 =	vld [tilespmem:$0x1FD70];
	v32 =	vmul.f32 v19, v30;
	v52 =	vmul.f32 v19, v36;
	v9 =	vadd.f32 v33, v9  }
0x123: {  	v36 =	vmul.f32 v35, v48;
	v48 =	vld [tilespmem:$0x1FCD0];
	v34 =	vadd.f32 v33, v41;
	v15 =	vadd.f32 v33, v15  }
0x124: {  	v21 =	vadd.f32 v33, v16;
	v22 =	vmul.f32 v60, v5;
	v5 =	vld [tilespmem:$0x1FCA0];
	v16 =	vmul.f32 v0, v8  }
0x125: {  	v62 =	vadd.f32 v33, v43;
	v41 =	vmul.f32 v60, v6;
	v20 =	vadd.f32 v63, v20  }
0x126: {  	v6 =	vld [tilespmem:$0x1FDC0];
	v42 =	vmul.f32 v0, v4;
	v22 =	vadd.f32 v63, v22;
	v16 =	vadd.f32 v33, v16  }
0x127: {  	v31 =	vadd.f32 v62, v31;
	v41 =	vadd.f32 v63, v41;
	v62 =	vmul.f32 v19, v39  }
0x128: {  	v10 =	vmovc v7;
	v7 =	vld [tilespmem:$0x1FCF0];
	v21 =	vadd.f32 v21, v55;
	v40 =	vmul.f32 v12, v48;
	v16 =	vadd.f32 v16, v37  }
0x129: {  	v29 =	vadd.f32 v33, v42;
	v24 =	vmul.f32 v60, v5;
	v0 =	vmul.f32 v0, v5;
	v5 =	vld [tilespmem:$0x1FDA0]  }
0x12a: {  	v20 =	vadd.f32 v20, v45;
	v25 =	vadd.f32 v16, v25;
	v16 =	vmul.f32 v60, v8  }
0x12b: {  	v55 =	vadd.f32 v41, v23;
	v43 =	vmul.f32 v12, v6;
	v15 =	vadd.f32 v15, v40  }
0x12c: {  	v45 =	vadd.f32 v63, v16;
	v16 =	vadd.f32 v20, v62;
	v62 =	vmul.f32 v60, v47;
	v47 =	vld [tilespmem:$0x1FD20]  }
0x12d: {  	v18 =	vmul.f32 v12, v7;
	v24 =	vadd.f32 v63, v24;
	v0 =	vadd.f32 v33, v0  }
0x12e: {  	v9 =	vadd.f32 v9, v43;
	v37 =	vmul.f32 v19, v5;
	v20 =	vmul.f32 v60, v46  }
0x12f: {  	v0 =	vadd.f32 v0, v18;
	v46 =	vmul.f32 v56, v39;
	v39 =	vmul.f32 v56, v5  }
0x130: {  	v5 =	vmul.f32 v35, v7;
	v33 =	vadd.f32 v63, v62;
	v62 =	vmul.f32 v35, v48  }
0x131: {  	v9 =	vadd.f32 v9, v39;
	v43 =	vmul.f32 v19, v47;
	v47 =	vmul.f32 v56, v47  }
0x132: {  	v20 =	vadd.f32 v63, v20;
	v33 =	vadd.f32 v33, v62;
	v62 =	vmul.f32 v60, v4  }
0x133: {  	v5 =	vadd.f32 v24, v5;
	vm2 =	vlt.f32 v9, v13;
	v0 =	vadd.f32 v0, v47  }
0x134: {  	v44 =	vld [tilespmem:$0x1FD80];
	v23 =	vadd.f32 v63, v62;
	v63 =	vsel vm2, v9, v13;
	v9 =	vadd.f32 v15, v27  }
0x135: {  	v3 =	vmovc v61;
	v14 =	vadd.f32 v34, v14;
	v5 =	vadd.f32 v5, v43;
	vm3 =	vlt.f32 v0, v17  }
0x136: {  	v62 =	vsel vm2, v3, v51;
	vm2 =	vlt.f32 v9, v57;
	v0 =	vsel vm3, v0, v17  }
0x137: {  	v30 =	vld [tilespmem:$0x1FDB0];
	v54 =	vsel vm2, v3, v54;
	v57 =	vsel vm2, v9, v57;
	vm2 =	vlt.f32 v5, v0  }
0x138: {  	v34 =	vadd.s32 $0x10, v3;
	v8 =	vld [tilespmem:$0x1FD50];
	v17 =	vsel vm2, v5, v0;
	v0 =	vsel vm3, v3, v10  }
0x139: {  	v38 =	vmul.f32 v19, v44;
	v44 =	vmul.f32 v56, v44;
	v7 =	vsel vm2, v34, v0;
	v0 =	vld [tilespmem:$0x1FB30];
	_ =	sdelay $0x1  }
0x13a: {  	v14 =	vadd.f32 v14, v44;
	v9 =	vadd.f32 v31, v46  }
0x13b: {  	v61 =	vadd.s32 $0x20, v61;
	v26 =	vmul.f32 v35, v26;
	v42 =	vmul.f32 v19, v30  }
0x13c: {  	vm0 =	vlt.f32 v14, v50;
	v12 =	vmul.f32 v12, v8;
	vm4 =	vlt.f32 v9, v59  }
0x13d: {  	v59 =	vsel vm4, v9, v59;
	v9 =	vsel vm0, v3, v58;
	v58 =	vsel vm4, v3, v0;
	v0 =	vld [tilespmem:$0x1FB40]  }
0x13e: {  	v44 =	vmul.f32 v56, v30;
	v14 =	vsel vm0, v14, v50;
	vm1 =	vlt.f32 v25, v1  }
0x13f: {  	v40 =	vmul.f32 v35, v8;
	v12 =	vadd.f32 v29, v12;
	v47 =	vadd.f32 v21, v28  }
0x140: {  	v18 =	vmul.f32 v35, v6;
	v53 =	vsel vm1, v3, v53;
	v1 =	vsel vm1, v25, v1  }
0x141: {  	v12 =	vadd.f32 v12, v44;
	v13 =	vadd.f32 v23, v40;
	vm5 =	vlt.f32 v47, v11  }
0x142: {  	s24 =	sadd.s32 $0x2, s24;
	v19 =	vmul.f32 v19, v49;
	v15 =	vadd.f32 v20, v26;
	v10 =	vsel vm5, v3, v0;
	v0 =	vld [tilespmem:$0x1FB50]  }
0x143: {  	p0 =	slt.u32 s24, $0x1FE;
	vm6 =	vlt.f32 v12, v2;
	v56 =	vadd.f32 v13, v42;
	v13 =	vadd.f32 v45, v36  }
.Ltmp2:
0x144: {  	v51 =	vadd.f32 v33, v32;
	v15 =	vadd.f32 v15, v38;
	v2 =	vsel vm6, v12, v2;
	(pc) =	sbr.rel @p0 .LBB2_7-.Ltmp2, $4  }
0x145: {  	v11 =	vsel vm5, v47, v11;
	v60 =	vadd.f32 v13, v19;
	v5 =	vadd.f32 v22, v18  }
0x146: {  	vm3 =	vlt.f32 v15, v14;
	vm0 =	vlt.f32 v51, v57;
	vm1 =	vlt.f32 v56, v2  }
0x147: {  	v50 =	vsel vm3, v15, v14;
	v8 =	vsel vm3, v34, v9;
	v0 =	vsel vm6, v3, v0  }
0x148: {  	s25 =	sadd.s32 $0x20, s25;
	s26 =	sadd.s32 $0x20, s26;
	vm15 =	vlt.f32 v16, v59;
	v13 =	vadd.f32 v5, v37;
	v6 =	vsel vm1, v34, v0  }
0x149: {  	v3 =	vld [tilespmem:$0x1FC10];
	_ =	sdelay $0x4  }
0x14a: {  	v0 =	vsub.f32 $0.0e+00, v3;
	_ =	sdelay $0x1  }
0x14b: {  	(xrf0) =	vmax.scan.msk.f32 $0xffff, v0;
	_ =	sdelay $0x5  }
0x14c: {  	v0, _, _ =	vpop (xrf0)  }
0x14d: {  	(v2sf) =	vpush v0, $0xF;
	_ =	sdelay $0xc  }
0x14e: {  	v0 =	vld [tilespmem:$0x1FC20]  }
0x14f: {  	v5 =	vld [tilespmem:$0x1FC30]  }
0x150: {  	s0 =	spop (v2sf)  }
0x151: {  	s0 =	ssub.f32 $0.0e+00, s0;
	_ =	sdelay $0x1  }
0x152: {  	v0 =	vsub.s32 $0x80000000, v0;
	vm2 =	veq.f32 v3, s0  }
0x153: {  	v3 =	vsub.f32 $0.0e+00, v5;
	v0 =	vnsel vm2, $0x1, v0  }
0x154: {  	(xrf0) =	vmax.scan.msk.u32 $0xffff, v0  }
0x155: {  	(xrf0) =	vmax.scan.msk.f32 $0xffff, v3;
	_ =	sdelay $0x4  }
0x156: {  	v0, _, _ =	vpop (xrf0)  }
0x157: {  	(v2sf) =	vpush v0, $0xF;
	v0, _, _ =	vpop (xrf0)  }
0x158: {  	(v2sf) =	vpush v0, $0xF;
	_ =	sdelay $0xc  }
0x159: {  	v0 =	vld [tilespmem:$0x1FC40]  }
0x15a: {  	v4 =	vld [tilespmem:$0x1FB60];
	s22 =	spop (v2sf)  }
0x15b: {  	s29 =	spop (v2sf)  }
0x15c: {  	s0 =	ssub.f32 $0.0e+00, s29;
	_ =	sdelay $0x1  }
0x15d: {  	v0 =	vsub.s32 $0x80000000, v0;
	vm2 =	veq.f32 v5, s0  }
0x15e: {  	v3 =	vsub.f32 $0.0e+00, v4;
	v0 =	vnsel vm2, $0x1, v0  }
0x15f: {  	(xrf0) =	vmax.scan.msk.u32 $0xffff, v0  }
0x160: {  	(xrf0) =	vmax.scan.msk.f32 $0xffff, v3;
	_ =	sdelay $0x4  }
0x161: {  	v0, _, _ =	vpop (xrf0)  }
0x162: {  	(v2sf) =	vpush v0, $0xF;
	v0, _, _ =	vpop (xrf0)  }
0x163: {  	(v2sf) =	vpush v0, $0xF;
	_ =	sdelay $0xc  }
0x164: {  	v0 =	vld [tilespmem:$0x1FB80]  }
0x165: {  	v45 =	vld [tilespmem:$0x1FB70];
	s23 =	spop (v2sf)  }
0x166: {  	s30 =	spop (v2sf)  }
0x167: {  	s0 =	ssub.f32 $0.0e+00, s30;
	_ =	sdelay $0x1  }
0x168: {  	v0 =	vsub.s32 $0x80000000, v0;
	vm2 =	veq.f32 v4, s0  }
0x169: {  	v3 =	vsub.f32 $0.0e+00, v45;
	v0 =	vnsel vm2, $0x1, v0  }
0x16a: {  	(xrf0) =	vmax.scan.msk.u32 $0xffff, v0  }
0x16b: {  	(xrf0) =	vmax.scan.msk.f32 $0xffff, v3;
	_ =	sdelay $0x4  }
0x16c: {  	v0, _, _ =	vpop (xrf0)  }
0x16d: {  	(v2sf) =	vpush v0, $0xF;
	v0, _, _ =	vpop (xrf0)  }
0x16e: {  	(v2sf) =	vpush v0, $0xF;
	_ =	sdelay $0xc  }
0x16f: {  	v0 =	vld [tilespmem:$0x1FB90]  }
0x170: {  	v46 =	vld [tilespmem:$0x1FBF0];
	s24 =	spop (v2sf)  }
0x171: {  	s31 =	spop (v2sf)  }
0x172: {  	s0 =	ssub.f32 $0.0e+00, s31;
	_ =	sdelay $0x1  }
0x173: {  	v0 =	vsub.s32 $0x80000000, v0;
	vm2 =	veq.f32 v45, s0  }
0x174: {  	v3 =	vsub.f32 $0.0e+00, v46;
	v0 =	vnsel vm2, $0x1, v0  }
0x175: {  	(xrf0) =	vmax.scan.msk.u32 $0xffff, v0  }
0x176: {  	(xrf0) =	vmax.scan.msk.f32 $0xffff, v3;
	_ =	sdelay $0x4  }
0x177: {  	v0, _, _ =	vpop (xrf0)  }
0x178: {  	(v2sf) =	vpush v0, $0xF;
	v0, _, _ =	vpop (xrf0)  }
0x179: {  	(v2sf) =	vpush v0, $0xF;
	_ =	sdelay $0xc  }
0x17a: {  	v0 =	vld [tilespmem:$0x1FBA0]  }
0x17b: {  	v47 =	vld [tilespmem:$0x1FC50];
	s25 =	spop (v2sf)  }
0x17c: {  	s1 =	spop (v2sf)  }
0x17d: {  	s0 =	ssub.f32 $0.0e+00, s1;
	_ =	sdelay $0x1  }
0x17e: {  	v0 =	vsub.s32 $0x80000000, v0;
	vm2 =	veq.f32 v46, s0  }
0x17f: {  	v3 =	vsub.f32 $0.0e+00, v47;
	v0 =	vnsel vm2, $0x1, v0  }
0x180: {  	(xrf0) =	vmax.scan.msk.u32 $0xffff, v0  }
0x181: {  	(xrf0) =	vmax.scan.msk.f32 $0xffff, v3;
	_ =	sdelay $0x4  }
0x182: {  	v0, _, _ =	vpop (xrf0)  }
0x183: {  	(v2sf) =	vpush v0, $0xF;
	v0, _, _ =	vpop (xrf0)  }
0x184: {  	(v2sf) =	vpush v0, $0xF;
	_ =	sdelay $0xc  }
0x185: {  	v0 =	vld [tilespmem:$0x1FBC0]  }
0x186: {  	v48 =	vld [tilespmem:$0x1FBD0];
	s26 =	spop (v2sf)  }
0x187: {  	s3 =	spop (v2sf)  }
0x188: {  	s0 =	ssub.f32 $0.0e+00, s3;
	_ =	sdelay $0x1  }
0x189: {  	v0 =	vsub.s32 $0x80000000, v0;
	vm2 =	veq.f32 v47, s0  }
0x18a: {  	v3 =	vsub.f32 $0.0e+00, v48;
	v0 =	vnsel vm2, $0x1, v0  }
0x18b: {  	(xrf0) =	vmax.scan.msk.u32 $0xffff, v0  }
0x18c: {  	(xrf0) =	vmax.scan.msk.f32 $0xffff, v3;
	_ =	sdelay $0x4  }
0x18d: {  	v0, _, _ =	vpop (xrf0)  }
0x18e: {  	(v2sf) =	vpush v0, $0xF;
	v0, _, _ =	vpop (xrf0)  }
0x18f: {  	(v2sf) =	vpush v0, $0xF;
	_ =	sdelay $0xc  }
0x190: {  	v0 =	vld [tilespmem:$0x1FBB0]  }
0x191: {  	v49 =	vld [tilespmem:$0x1FBE0];
	s28 =	spop (v2sf)  }
0x192: {  	s16 =	spop (v2sf)  }
0x193: {  	s0 =	ssub.f32 $0.0e+00, s16;
	_ =	sdelay $0x1  }
0x194: {  	v0 =	vsub.s32 $0x80000000, v0;
	vm2 =	veq.f32 v48, s0  }
0x195: {  	v3 =	vsub.f32 $0.0e+00, v49;
	v0 =	vnsel vm2, $0x1, v0  }
0x196: {  	(xrf0) =	vmax.scan.msk.u32 $0xffff, v0  }
0x197: {  	(xrf0) =	vmax.scan.msk.f32 $0xffff, v3;
	_ =	sdelay $0x4  }
0x198: {  	v0, _, _ =	vpop (xrf0)  }
0x199: {  	(v2sf) =	vpush v0, $0xF;
	v0, _, _ =	vpop (xrf0)  }
0x19a: {  	(v2sf) =	vpush v0, $0xF;
	_ =	sdelay $0xc  }
0x19b: {  	v3 =	vld [tilespmem:$0x1FC00]  }
0x19c: {  	s29 =	spop (v2sf)  }
0x19d: {  	s17 =	spop (v2sf)  }
0x19e: {  	s0 =	ssub.f32 $0.0e+00, s17  }
0x19f: {  	vm2 =	vlt.f32 v13, v63  }
0x1a0: {  	v3 =	vsub.s32 $0x80000000, v3;
	v0 =	vsel vm2, v13, v63;
	vm3 =	veq.f32 v49, s0  }
0x1a1: {  	v61 =	vsub.f32 $0.0e+00, v0;
	v3 =	vnsel vm3, $0x1, v3  }
0x1a2: {  	(xrf0) =	vmax.scan.msk.u32 $0xffff, v3  }
0x1a3: {  	(xrf0) =	vmax.scan.msk.f32 $0xffff, v61;
	_ =	sdelay $0x4  }
0x1a4: {  	v3, _, _ =	vpop (xrf0)  }
0x1a5: {  	(v2sf) =	vpush v3, $0xF;
	v3, _, _ =	vpop (xrf0)  }
0x1a6: {  	(v2sf) =	vpush v3, $0xF;
	_ =	sdelay $0xd  }
0x1a7: {  	s30 =	spop (v2sf)  }
0x1a8: {  	v3 =	vadd.f32 v55, v52;
	s18 =	spop (v2sf)  }
0x1a9: {  	s0 =	ssub.f32 $0.0e+00, s18  }
0x1aa: {  	v62 =	vsel vm2, v34, v62;
	vm2 =	vlt.f32 v3, v11  }
0x1ab: {  	v3 =	vsel vm2, v3, v11;
	vm3 =	veq.f32 v0, s0;
	v0 =	vsub.s32 $0x80000000, v62  }
0x1ac: {  	v63 =	vsub.f32 $0.0e+00, v3;
	v0 =	vnsel vm3, $0x1, v0  }
0x1ad: {  	(xrf0) =	vmax.scan.msk.u32 $0xffff, v0  }
0x1ae: {  	(xrf0) =	vmax.scan.msk.f32 $0xffff, v63;
	_ =	sdelay $0x4  }
0x1af: {  	v0, _, _ =	vpop (xrf0)  }
0x1b0: {  	(v2sf) =	vpush v0, $0xF;
	v0, _, _ =	vpop (xrf0)  }
0x1b1: {  	(v2sf) =	vpush v0, $0xF;
	_ =	sdelay $0xd  }
0x1b2: {  	s31 =	spop (v2sf)  }
0x1b3: {  	s19 =	spop (v2sf)  }
0x1b4: {  	s0 =	ssub.f32 $0.0e+00, s19  }
0x1b5: {  	v0 =	vsel vm2, v34, v10  }
0x1b6: {  	v0 =	vsub.s32 $0x80000000, v0;
	vm2 =	veq.f32 v3, s0  }
0x1b7: {  	v3 =	vsub.f32 $0.0e+00, v50;
	v0 =	vnsel vm2, $0x1, v0  }
0x1b8: {  	(xrf0) =	vmax.scan.msk.u32 $0xffff, v0  }
0x1b9: {  	(xrf0) =	vmax.scan.msk.f32 $0xffff, v3;
	_ =	sdelay $0x4  }
0x1ba: {  	v0, _, _ =	vpop (xrf0)  }
0x1bb: {  	(v2sf) =	vpush v0, $0xF;
	v0, _, _ =	vpop (xrf0)  }
0x1bc: {  	(v2sf) =	vpush v0, $0xF;
	_ =	sdelay $0xd  }
0x1bd: {  	s0 =	spop (v2sf)  }
0x1be: {  	s1 =	spop (v2sf)  }
0x1bf: {  	s1 =	ssub.f32 $0.0e+00, s1;
	_ =	sdelay $0x1  }
0x1c0: {  	v0 =	vsub.s32 $0x80000000, v8;
	vm2 =	veq.f32 v50, s1  }
0x1c1: {  	v3 =	vsub.f32 $0.0e+00, v17;
	v0 =	vnsel vm2, $0x1, v0  }
0x1c2: {  	(xrf0) =	vmax.scan.msk.u32 $0xffff, v0  }
0x1c3: {  	(xrf0) =	vmax.scan.msk.f32 $0xffff, v3;
	_ =	sdelay $0x4  }
0x1c4: {  	v0, _, _ =	vpop (xrf0)  }
0x1c5: {  	(v2sf) =	vpush v0, $0xF;
	v0, _, _ =	vpop (xrf0)  }
0x1c6: {  	(v2sf) =	vpush v0, $0xF;
	_ =	sdelay $0xd  }
0x1c7: {  	s1 =	spop (v2sf)  }
0x1c8: {  	s16 =	spop (v2sf)  }
0x1c9: {  	s16 =	ssub.f32 $0.0e+00, s16;
	_ =	sdelay $0x1  }
0x1ca: {  	v0 =	vsel vm1, v56, v2;
	v2 =	vsub.s32 $0x80000000, v7;
	vm1 =	veq.f32 v17, s16  }
0x1cb: {  	v3 =	vsub.f32 $0.0e+00, v0;
	v2 =	vnsel vm1, $0x1, v2  }
0x1cc: {  	(xrf0) =	vmax.scan.msk.u32 $0xffff, v2  }
0x1cd: {  	(xrf0) =	vmax.scan.msk.f32 $0xffff, v3;
	_ =	sdelay $0x4  }
0x1ce: {  	v2, _, _ =	vpop (xrf0)  }
0x1cf: {  	(v2sf) =	vpush v2, $0xF;
	v2, _, _ =	vpop (xrf0)  }
0x1d0: {  	(v2sf) =	vpush v2, $0xF;
	_ =	sdelay $0xd  }
0x1d1: {  	s16 =	spop (v2sf)  }
0x1d2: {  	s17 =	spop (v2sf)  }
0x1d3: {  	s17 =	ssub.f32 $0.0e+00, s17  }
0x1d4: {  	vm1 =	vlt.f32 v60, v1  }
0x1d5: {  	v1 =	vsel vm1, v60, v1;
	vm2 =	veq.f32 v0, s17;
	v0 =	vsub.s32 $0x80000000, v6  }
0x1d6: {  	v2 =	vsub.f32 $0.0e+00, v1;
	v0 =	vnsel vm2, $0x1, v0  }
0x1d7: {  	(xrf0) =	vmax.scan.msk.u32 $0xffff, v0  }
0x1d8: {  	(xrf0) =	vmax.scan.msk.f32 $0xffff, v2;
	_ =	sdelay $0x4  }
0x1d9: {  	v0, _, _ =	vpop (xrf0)  }
0x1da: {  	(v2sf) =	vpush v0, $0xF;
	v0, _, _ =	vpop (xrf0)  }
0x1db: {  	(v2sf) =	vpush v0, $0xF;
	_ =	sdelay $0xd  }
0x1dc: {  	s17 =	spop (v2sf)  }
0x1dd: {  	s18 =	spop (v2sf)  }
0x1de: {  	s18 =	ssub.f32 $0.0e+00, s18  }
0x1df: {  	v0 =	vsel vm1, v34, v53  }
0x1e0: {  	v2 =	vsel vm0, v51, v57;
	v0 =	vsub.s32 $0x80000000, v0;
	vm1 =	veq.f32 v1, s18  }
0x1e1: {  	v1 =	vsub.f32 $0.0e+00, v2;
	v0 =	vnsel vm1, $0x1, v0  }
0x1e2: {  	(xrf0) =	vmax.scan.msk.u32 $0xffff, v0  }
0x1e3: {  	(xrf0) =	vmax.scan.msk.f32 $0xffff, v1;
	_ =	sdelay $0x4  }
0x1e4: {  	v0, _, _ =	vpop (xrf0)  }
0x1e5: {  	(v2sf) =	vpush v0, $0xF;
	v0, _, _ =	vpop (xrf0)  }
0x1e6: {  	(v2sf) =	vpush v0, $0xF;
	_ =	sdelay $0xd  }
0x1e7: {  	s18 =	spop (v2sf)  }
0x1e8: {  	s19 =	spop (v2sf)  }
0x1e9: {  	s19 =	ssub.f32 $0.0e+00, s19  }
0x1ea: {  	v0 =	vsel vm0, v34, v54  }
0x1eb: {  	v1 =	vsel vm15, v16, v59;
	v0 =	vsub.s32 $0x80000000, v0;
	vm0 =	veq.f32 v2, s19  }
0x1ec: {  	v2 =	vsub.f32 $0.0e+00, v1;
	v0 =	vnsel vm0, $0x1, v0  }
0x1ed: {  	(xrf0) =	vmax.scan.msk.u32 $0xffff, v0  }
0x1ee: {  	(xrf0) =	vmax.scan.msk.f32 $0xffff, v2;
	_ =	sdelay $0x4  }
0x1ef: {  	v0, _, _ =	vpop (xrf0)  }
0x1f0: {  	(v2sf) =	vpush v0, $0xF;
	v0, _, _ =	vpop (xrf0)  }
0x1f1: {  	(v2sf) =	vpush v0, $0xF;
	_ =	sdelay $0xd  }
0x1f2: {  	s19 =	spop (v2sf)  }
0x1f3: {  	s3 =	spop (v2sf)  }
0x1f4: {  	s3 =	ssub.f32 $0.0e+00, s3  }
0x1f5: {  	v0 =	vsel vm15, v34, v58  }
0x1f6: {  	v0 =	vsub.s32 $0x80000000, v0;
	vm0 =	veq.f32 v1, s3  }
0x1f7: {  	v0 =	vnsel vm0, $0x1, v0  }
0x1f8: {  	(xrf0) =	vmax.scan.msk.u32 $0xffff, v0;
	_ =	sdelay $0x5  }
0x1f9: {  	v0, _, _ =	vpop (xrf0)  }
0x1fa: {  	(v2sf) =	vpush v0, $0xF;
	_ =	sdelay $0xe  }
0x1fb: {  	s3 =	spop (v2sf)  }
0x1fc: {  	s3 =	sxor.u32 $0x7FFFFFFF, s3  }
0x1fd: {  	s22 =	sxor.u32 $0x7FFFFFFF, s22;
	s3 =	sadd.s32 $0x1, s3  }
0x1fe: {  	s22 =	sadd.s32 $0x1, s22;
	s23 =	sxor.u32 $0x7FFFFFFF, s23;
	vm0 =	vcmask $0x300;
	v0 =	vmov s3  }
0x1ff: {  	s24 =	sxor.u32 $0x7FFFFFFF, s24;
	s3 =	sadd.s32 $0x1, s23;
	v0 =	vsel vm0, s22, v0;
	vm0 =	vcmask $0x704  }
0x200: {  	s25 =	sxor.u32 $0x7FFFFFFF, s25;
	s22 =	sadd.s32 $0x1, s24;
	v0 =	vsel vm0, s3, v0;
	vm0 =	vcmask $0xB08  }
0x201: {  	s24 =	sadd.s32 $0x1, s25;
	s25 =	sxor.u32 $0x7FFFFFFF, s26;
	v0 =	vsel vm0, s22, v0;
	vm0 =	vcmask $0xF0C  }
0x202: {  	s28 =	sxor.u32 $0x7FFFFFFF, s28;
	s26 =	sadd.s32 $0x1, s25;
	v0 =	vsel vm0, s24, v0;
	vm0 =	vcmask $0x1310  }
0x203: {  	s25 =	sxor.u32 $0x7FFFFFFF, s29;
	s24 =	sadd.s32 $0x1, s28;
	v0 =	vsel vm0, s26, v0;
	vm0 =	vcmask $0x1714  }
0x204: {  	s28 =	sxor.u32 $0x7FFFFFFF, s30;
	s26 =	sadd.s32 $0x1, s25;
	v0 =	vsel vm0, s24, v0;
	vm0 =	vcmask $0x1B18  }
0x205: {  	s30 =	sxor.u32 $0x7FFFFFFF, s31;
	s29 =	sadd.s32 $0x1, s28;
	v0 =	vsel vm0, s26, v0  }
0x206: {  	s0 =	sxor.u32 $0x7FFFFFFF, s0;
	s31 =	sadd.s32 $0x1, s30;
	v0 =	vsel vm7, s29, v0  }
0x207: {  	s0 =	sadd.s32 $0x1, s0;
	s1 =	sxor.u32 $0x7FFFFFFF, s1;
	v0 =	vsel vm8, s31, v0  }
0x208: {  	s1 =	sadd.s32 $0x1, s1;
	s23 =	sxor.u32 $0x7FFFFFFF, s16;
	v0 =	vsel vm9, s0, v0  }
0x209: {  	s25 =	sxor.u32 $0x7FFFFFFF, s17;
	s24 =	sadd.s32 $0x1, s23;
	v0 =	vsel vm10, s1, v0  }
0x20a: {  	s28 =	sxor.u32 $0x7FFFFFFF, s18;
	s26 =	sadd.s32 $0x1, s25;
	v0 =	vsel vm11, s24, v0  }
0x20b: {  	s30 =	sxor.u32 $0x7FFFFFFF, s19;
	s29 =	sadd.s32 $0x1, s28;
	v0 =	vsel vm12, s26, v0  }
0x20c: {  	s31 =	sadd.s32 $0x1, s30;
	v0 =	vsel vm13, s29, v0  }
0x20d: {  	v0 =	vsel vm14, s31, v0;
	_ =	sdelay $0x3  }
0x20e: {  	v3 =	vld [tilespmem:$0x1FE20]  }
0x20f: {  	v1 =	vld.idx.msk [tilespmem:v0+s2+$0x0], $0xffff;
	_ =	sdelay $0x3  }
0x210: {  	v2 =	vld.idx.msk [tilespmem:v0+s14+$0x0], $0xffff  }
0x211: {  	v1 =	vsub.f32 v3, v1;
	v3 =	vld [tilespmem:$0x1FE30];
	_ =	sdelay $0x3  }
0x212: {  	v0 =	vld.idx.msk [tilespmem:v0+s15+$0x0], $0xffff  }
0x213: {  	v2 =	vsub.f32 v3, v2;
	v3 =	vld [tilespmem:$0x1FE40];
	_ =	sdelay $0x4  }
0x214: {  	v1 =	vmul.f32 v1, v1;
	v2 =	vmul.f32 v2, v2;
	v0 =	vsub.f32 v3, v0;
	_ =	sdelay $0x1  }
0x215: {  	v1 =	vadd.f32 v2, v1;
	v0 =	vmul.f32 v0, v0  }
0x216: {  	s21 =	sadd.s32 $0x1, s21  }
0x217: {  	p0 =	sne.s32 s21, $0x20;
	v0 =	vadd.f32 v0, v1;
	v1 =	vld [tilespmem:$0x1FE10]  }
.Ltmp3:
0x218: {  	_ = 	snop;
	(pc) =	sbr.rel @p0 .LBB2_4-.Ltmp3, $2  }
0x219: {  	_ =	sdelay $0x2  }
0x21a: {  	v0 =	vadd.f32 v0, v1  }
0x21b: {  	s20 =	sadd.s32 $0x1, s20  }
0x21c: {  	p0 =	sne.s32 s20, s10  }
.Ltmp4:
0x21d: {  	s0 =	simm.s32 $0xE600;
	[tilespmem:$0xE600] =	vst v0;
	(pc) =	sbr.rel @p0 .LBB2_1-.Ltmp4, $4  }
0x21e: {  	[hbm4b:s9+s2] =	stream.linear.scatter [tilespmem:s0], [sflag:$0x1], $0x80, $0x38;
	[tilespmem:$0xE680] =	vst v63  }
0x21f: {  	_ =	swait.ge [sflag:s13], $0x80  }
0x220: {  	[sflag:s13] =	ssyncset.done $0x0  }
0x221: {  	[sflag:s13] =	ssyncadd.s32 $0xFFFFFF80  }
0x222: {  	_ =	sfence.sel $0x180000  }
0x223: {  	[bflag:$0x0] =	sbarrier.arrive $0xFFFF  }
0x224: {  	_ =	strace $0x90000047  }
0x225: {  	s0 =	stileid.u32;
	[bflag:$0x2] =	sbarrier.arrive $0xFFFF  }
0x226: {  	p0 =	sne.s32 s0, $0x0;
	s0 =	rddreg [dreg:$0x1]  }
0x227: {  	s0 =	sadd.s32 @!p0 $0x100000, s0  }
0x228: {  	[sflag:s0] =	ssyncadd.tile.s32 @!p0 $0x1;
	_ =	shalt  }
.Lfunc_end2:
_tile_overlayer_lowered:
.L_overlay_start_2:
0x229: {  	(tag) =	ssettag $0x2  }
0x22a: {  	s0 =	rddreg [dreg:$0x0];
	s2 =	stileid.u32  }
0x22b: {  	s1 =	rddreg [dreg:$0x1];
	p0 =	sne.s32 s2, $0x0  }
0x22c: {  	s3 =	rddreg [dreg:$0x2];
	[bflag:$0x3] =	sbarrier.arrive $0xFFFF;
	s2 =	simm.s32 @!p0 $0x1C01  }
0x22d: {  	[timem:s3], [sflag:s2] =	dma.local @!p0 [hbm:s0], s1  }
0x22e: {  	s0 =	simm.s32 @!p0 $0x1  }
0x22f: {  	_ =	swait.ge @!p0 [sflag:s0], s1  }
0x230: {  	s1 =	ssub.s32 @!p0 $0x0, s1;
	[sflag:s0] =	ssyncset.done @!p0 $0x0  }
0x231: {  	[sflag:s0] =	ssyncadd.s32 @!p0 s1  }
0x232: {  	[bflag:$0x3] =	sbarrier.arrive $0xFFFF  }
0x233: {  	_ =	shalt  }

</sc_bundles>
